<compile_context>
chip_gen: v7x
topology: tpu7x:2x2x1
jax: 0.10.2.dev20260603
libtpu: 0.0.44.dev20260713+nightly
codegen_flags: <defaults>
</compile_context>

<pallas_src>
import functools

import jax
import jax.numpy as jnp
from jax import lax
from jax.experimental import pallas as pl
from jax.experimental.pallas import tpu as pltpu
from jax.experimental.pallas import tpu_sc as plsc

NC = 2
NS = 16
NW = NC * NS
CH = 32
NBUF = 5


@functools.lru_cache(maxsize=None)
def _embed_call(Bt, S, V, D):
    B = Bt * S
    b_per_w = B // NW
    nchunk = b_per_w // CH
    w_per_row = S // b_per_w
    mesh = plsc.VectorSubcoreMesh(core_axis_name="c", subcore_axis_name="s")

    @functools.partial(
        pl.kernel,
        mesh=mesh,
        out_type=jax.ShapeDtypeStruct((B, D), jnp.float32),
        scratch_types=[
            pltpu.VMEM((b_per_w,), jnp.int32),
        ]
        + [pltpu.VMEM((CH,), jnp.int32) for _ in range(NBUF)]
        + [pltpu.VMEM((CH, D), jnp.float32) for _ in range(NBUF)]
        + [pltpu.SemaphoreType.DMA for _ in range(2 * NBUF)],
    )
    def k(tokens_hbm, table_hbm, out_hbm, idx_v, *rest):
        idxbs = rest[:NBUF]
        bufs = rest[NBUF : 2 * NBUF]
        gsems = rest[2 * NBUF : 3 * NBUF]
        wsems = rest[3 * NBUF :]
        wid = lax.axis_index("s") * NC + lax.axis_index("c")
        base = wid * b_per_w
        row = wid // w_per_row
        col = (wid % w_per_row) * b_per_w
        handles = {}

        def start_gather(c):
            b = c % NBUF
            for j in range(CH // 16):
                idxbs[b][pl.ds(16 * j, 16)] = idx_v[pl.ds(c * CH + 16 * j, 16)]
            handles["g", c] = pltpu.async_copy(
                table_hbm.at[idxbs[b]], bufs[b], gsems[b]
            )

        def start_write(c):
            handles["w", c] = pltpu.async_copy(
                bufs[c % NBUF],
                out_hbm.at[pl.ds(base + c * CH, CH)],
                wsems[c % NBUF],
            )

        half = b_per_w // 2
        pltpu.sync_copy(
            tokens_hbm.at[row, pl.ds(col, half)], idx_v.at[pl.ds(0, half)]
        )
        for c in range(min(NBUF - 1, nchunk)):
            start_gather(c)
        pltpu.sync_copy(
            tokens_hbm.at[row, pl.ds(col + half, half)],
            idx_v.at[pl.ds(half, half)],
        )
        for c in range(nchunk):
            nxt = c + NBUF - 1
            if nxt < nchunk:
                if nxt >= NBUF:
                    handles["w", nxt - NBUF].wait()
                start_gather(nxt)
            handles["g", c].wait()
            start_write(c)
        for c in range(max(0, nchunk - NBUF), nchunk):
            handles["w", c].wait()

    return k


def kernel(tokens, W_E):
    Bt, S = tokens.shape
    V, D = W_E.shape
    out = _embed_call(Bt, S, V, D)(tokens, W_E)
    return out.reshape(Bt, S, D)

# --- scband reference (transcript-rebuilt; emitter-appended) ---
"""Pipeline reference for scband-embed-66348654788919 (READ-ONLY COPY).

The authoritative reference and input builder live on the scoring server;
editing this copy changes nothing except your own understanding.
"""

import jax, jax.numpy as jnp
import numpy as np

D_VOCAB = 100000
D_MODEL = 768
INIT_RANGE = 0.02
BATCH = 4
SEQ = 2048


def setup_inputs(seed: int = 0) -> dict:
    key = jax.random.key(seed)
    k_tok, k_w = jax.random.split(key)
    tokens = jax.random.randint(k_tok, (BATCH, SEQ), 0, D_VOCAB, dtype=jnp.int64 if jax.config.jax_enable_x64 else jnp.int32)
    W_E = jax.random.normal(k_w, (D_VOCAB, D_MODEL), dtype=jnp.float32) * INIT_RANGE
    return {"tokens": tokens, "W_E": W_E}


def reference(tokens, W_E):
    # Embed.forward: return self.W_E[tokens]
    return jnp.take(W_E, tokens, axis=0)

if __name__ == "__main__":
    import jax
    _d = setup_inputs()
    print(jax.jit(kernel)(*tuple(_d.values())))

</pallas_src>

<mosaic_0001>
#map = affine_map<(d0, d1) -> (0, 0)>
module attributes {stable_mosaic.version = 14 : i64} {
  func.func @k(%arg0: i32, %arg1: i32, %arg2: memref<4x2048xi32, #tpu.memory_space<hbm>>, %arg3: memref<100000x768xf32, #tpu.memory_space<hbm>>, %arg4: memref<8192x768xf32, #tpu.memory_space<hbm>>, %arg5: memref<256xi32, #tpu.memory_space<vmem>>, %arg6: memref<32xi32, #tpu.memory_space<vmem>>, %arg7: memref<32xi32, #tpu.memory_space<vmem>>, %arg8: memref<32xi32, #tpu.memory_space<vmem>>, %arg9: memref<32xi32, #tpu.memory_space<vmem>>, %arg10: memref<32xi32, #tpu.memory_space<vmem>>, %arg11: memref<32x768xf32, #tpu.memory_space<vmem>>, %arg12: memref<32x768xf32, #tpu.memory_space<vmem>>, %arg13: memref<32x768xf32, #tpu.memory_space<vmem>>, %arg14: memref<32x768xf32, #tpu.memory_space<vmem>>, %arg15: memref<32x768xf32, #tpu.memory_space<vmem>>, %arg16: memref<!tpu.dma_semaphore, #tpu.memory_space<semaphore_mem>>, %arg17: memref<!tpu.dma_semaphore, #tpu.memory_space<semaphore_mem>>, %arg18: memref<!tpu.dma_semaphore, #tpu.memory_space<semaphore_mem>>, %arg19: memref<!tpu.dma_semaphore, #tpu.memory_space<semaphore_mem>>, %arg20: memref<!tpu.dma_semaphore, #tpu.memory_space<semaphore_mem>>, %arg21: memref<!tpu.dma_semaphore, #tpu.memory_space<semaphore_mem>>, %arg22: memref<!tpu.dma_semaphore, #tpu.memory_space<semaphore_mem>>, %arg23: memref<!tpu.dma_semaphore, #tpu.memory_space<semaphore_mem>>, %arg24: memref<!tpu.dma_semaphore, #tpu.memory_space<semaphore_mem>>, %arg25: memref<!tpu.dma_semaphore, #tpu.memory_space<semaphore_mem>>) attributes {dimension_semantics = [#tpu.dimension_semantics<core_parallel>, #tpu.dimension_semantics<subcore_parallel>], iteration_bounds = array<i64: 2, 16>, scalar_prefetch = 0 : i64, scratch_operands = 21 : i64, tpu.core_type = #tpu.core_type<sc_vector_subcore>, window_params = [{transform_indices = #map}, {transform_indices = #map}, {transform_indices = #map}]} {
    %mul3A = arith.constant 2 : i32
    %mul3A_0 = arith.muli %arg1, %mul3A : i32
    %add3A = arith.addi %mul3A_0, %arg0 : i32
    %mul3A_1 = arith.constant 256 : i32
    %mul3A_2 = arith.muli %add3A, %mul3A_1 : i32
    %jit3A = arith.constant 8 : i32
    %div3A = arith.divsi %add3A, %jit3A : i32
    %sign3A = arith.constant 0 : i32
    %sign3A_3 = arith.cmpi sgt, %add3A, %sign3A : i32
    %sign3A_4 = arith.extui %sign3A_3 : i1 to i32
    %sign3A_5 = arith.constant 0 : i32
    %sign3A_6 = arith.cmpi slt, %add3A, %sign3A_5 : i32
    %sign3A_7 = arith.extui %sign3A_6 : i1 to i32
    %sign3A_8 = arith.subi %sign3A_4, %sign3A_7 : i32
    %sign3A_9 = arith.constant 0 : i32
    %sign3A_10 = arith.cmpi sgt, %jit3A, %sign3A_9 : i32
    %sign3A_11 = arith.extui %sign3A_10 : i1 to i32
    %sign3A_12 = arith.constant 0 : i32
    %sign3A_13 = arith.cmpi slt, %jit3A, %sign3A_12 : i32
    %sign3A_14 = arith.extui %sign3A_13 : i1 to i32
    %sign3A_15 = arith.subi %sign3A_11, %sign3A_14 : i32
    %ne3A = arith.cmpi ne, %sign3A_8, %sign3A_15 : i32
    %rem3A = arith.remsi %add3A, %jit3A : i32
    %ne3A_16 = arith.constant 0 : i32
    %ne3A_17 = arith.cmpi ne, %rem3A, %ne3A_16 : i32
    %and3A = arith.andi %ne3A, %ne3A_17 : i1
    %sub3A = arith.constant 1 : i32
    %sub3A_18 = arith.subi %div3A, %sub3A : i32
    %select_n3A = arith.select %and3A, %sub3A_18, %div3A : i32
    %jit3A_19 = arith.constant 8 : i32
    %eq3A = arith.constant 0 : i32
    %eq3A_20 = arith.cmpi eq, %jit3A_19, %eq3A : i32
    %jit3A_21 = arith.constant 1 : i32
    %select_n3A_22 = arith.select %eq3A_20, %jit3A_21, %jit3A_19 : i32
    %rem3A_23 = arith.remsi %add3A, %select_n3A_22 : i32
    %ne3A_24 = arith.constant 0 : i32
    %ne3A_25 = arith.cmpi ne, %rem3A_23, %ne3A_24 : i32
    %lt3A = arith.constant 0 : i32
    %lt3A_26 = arith.cmpi slt, %rem3A_23, %lt3A : i32
    %lt3A_27 = arith.constant 0 : i32
    %lt3A_28 = arith.cmpi slt, %select_n3A_22, %lt3A_27 : i32
    %ne3A_29 = arith.xori %lt3A_26, %lt3A_28 : i1
    %and3A_30 = arith.andi %ne3A_29, %ne3A_25 : i1
    %add3A_31 = arith.addi %rem3A_23, %select_n3A_22 : i32
    %select_n3A_32 = arith.select %and3A_30, %add3A_31, %rem3A_23 : i32
    %mul3A_33 = arith.constant 256 : i32
    %mul3A_34 = arith.muli %select_n3A_32, %mul3A_33 : i32
    "tpu.region"() ({
      %run_scoped3A = tpu.sem_alloc : memref<!tpu.dma_semaphore, #tpu.memory_space<semaphore_mem>>
      %dma_start3A_273 = arith.constant 0 : i32
      %dma_start3A_274 = tpu.memref_slice %arg5[%dma_start3A_273] : memref<256xi32, #tpu.memory_space<vmem>> -> memref<128xi32, #tpu.memory_space<vmem>>
      %dma_start3A_275 = tpu.memref_slice %arg2[%select_n3A, %mul3A_34] : memref<4x2048xi32, #tpu.memory_space<hbm>> -> memref<1x128xi32, #tpu.memory_space<hbm>>
      %dma_start3A_276 = tpu.memref_squeeze %dma_start3A_275 : memref<1x128xi32, #tpu.memory_space<hbm>> -> memref<128xi32, #tpu.memory_space<hbm>>
      %dma_start3A_277 = arith.constant 0 : i32
      %dma_start3A_278 = tpu.memref_slice %arg5[%dma_start3A_277] : memref<256xi32, #tpu.memory_space<vmem>> -> memref<128xi32, #tpu.memory_space<vmem>>
      %dma_start3A_279 = tpu.memref_slice %arg2[%select_n3A, %mul3A_34] : memref<4x2048xi32, #tpu.memory_space<hbm>> -> memref<1x128xi32, #tpu.memory_space<hbm>>
      %dma_start3A_280 = tpu.memref_squeeze %dma_start3A_279 : memref<1x128xi32, #tpu.memory_space<hbm>> -> memref<128xi32, #tpu.memory_space<hbm>>
      tpu.enqueue_dma source(%dma_start3A_280 : memref<128xi32, #tpu.memory_space<hbm>>) target(%dma_start3A_278 : memref<128xi32, #tpu.memory_space<vmem>>) target_semaphore(%run_scoped3A : memref<!tpu.dma_semaphore, #tpu.memory_space<semaphore_mem>>)
      %dma_wait3A_281 = arith.constant 0 : i32
      %dma_wait3A_282 = tpu.memref_slice %arg5[%dma_wait3A_281] : memref<256xi32, #tpu.memory_space<vmem>> -> memref<128xi32, #tpu.memory_space<vmem>>
      %dma_wait3A_283 = tpu.memref_slice %arg2[%select_n3A, %mul3A_34] : memref<4x2048xi32, #tpu.memory_space<hbm>> -> memref<1x128xi32, #tpu.memory_space<hbm>>
      %dma_wait3A_284 = tpu.memref_squeeze %dma_wait3A_283 : memref<1x128xi32, #tpu.memory_space<hbm>> -> memref<128xi32, #tpu.memory_space<hbm>>
      %dma_wait3A_285 = arith.constant 0 : i32
      %dma_wait3A_286 = tpu.memref_slice %arg5[%dma_wait3A_285] : memref<256xi32, #tpu.memory_space<vmem>> -> memref<128xi32, #tpu.memory_space<vmem>>
      %dma_wait3A_287 = tpu.memref_slice %arg2[%select_n3A, %mul3A_34] : memref<4x2048xi32, #tpu.memory_space<hbm>> -> memref<1x128xi32, #tpu.memory_space<hbm>>
      %dma_wait3A_288 = tpu.memref_squeeze %dma_wait3A_287 : memref<1x128xi32, #tpu.memory_space<hbm>> -> memref<128xi32, #tpu.memory_space<hbm>>
      tpu.wait_dma2 semaphore(%run_scoped3A : memref<!tpu.dma_semaphore, #tpu.memory_space<semaphore_mem>>) src(%dma_wait3A_288 : memref<128xi32, #tpu.memory_space<hbm>>) dst(%dma_wait3A_286 : memref<128xi32, #tpu.memory_space<vmem>>)
      tpu.yield
    }) : () -> ()
    %get3A = arith.constant 0 : index
    %get3A_35 = tpu.vector_load %arg5[%get3A] {strides = array<i32>} : memref<256xi32, #tpu.memory_space<vmem>>, vector<16xi32>,
    %get3A_36 = vector.shape_cast %get3A_35 : vector<16xi32> to vector<16xi32>
    %swap3A = arith.constant 0 : index
    %swap3A_37 = tpu.vector_load %arg6[%swap3A] {strides = array<i32>} : memref<32xi32, #tpu.memory_space<vmem>>, vector<16xi32>,
    %swap3A_38 = vector.shape_cast %swap3A_37 : vector<16xi32> to vector<16xi32>
    %swap3A_39 = vector.shape_cast %get3A_36 : vector<16xi32> to vector<16xi32>
    tpu.vector_store %arg6[%swap3A], %swap3A_39 {strides = array<i32>} : memref<32xi32, #tpu.memory_space<vmem>>, vector<16xi32>,
    %get3A_40 = arith.constant 16 : index
    %get3A_41 = tpu.vector_load %arg5[%get3A_40] {strides = array<i32>} : memref<256xi32, #tpu.memory_space<vmem>>, vector<16xi32>,
    %get3A_42 = vector.shape_cast %get3A_41 : vector<16xi32> to vector<16xi32>
    %swap3A_43 = arith.constant 16 : index
    %swap3A_44 = tpu.vector_load %arg6[%swap3A_43] {strides = array<i32>} : memref<32xi32, #tpu.memory_space<vmem>>, vector<16xi32>,
    %swap3A_45 = vector.shape_cast %swap3A_44 : vector<16xi32> to vector<16xi32>
    %swap3A_46 = vector.shape_cast %get3A_42 : vector<16xi32> to vector<16xi32>
    tpu.vector_store %arg6[%swap3A_43], %swap3A_46 {strides = array<i32>} : memref<32xi32, #tpu.memory_space<vmem>>, vector<16xi32>,
    %dma_start3A = arith.constant 0 : i32
    %dma_start3A_47 = arith.constant 0 : i32
    %dma_start3A_48 = tpu.memref_slice %arg3[%dma_start3A, %dma_start3A_47] : memref<100000x768xf32, #tpu.memory_space<hbm>> -> memref<100000x768xf32, #tpu.memory_space<hbm>>
    tpu.enqueue_indirect_dma source(%dma_start3A_48 : memref<100000x768xf32, #tpu.memory_space<hbm>>) target(%arg11 : memref<32x768xf32, #tpu.memory_space<vmem>>) offsets(%arg6 : memref<32xi32, #tpu.memory_space<vmem>>) semaphore(%arg16 : memref<!tpu.dma_semaphore, #tpu.memory_space<semaphore_mem>>)
    %get3A_49 = arith.constant 32 : index
    %get3A_50 = tpu.vector_load %arg5[%get3A_49] {strides = array<i32>} : memref<256xi32, #tpu.memory_space<vmem>>, vector<16xi32>,
    %get3A_51 = vector.shape_cast %get3A_50 : vector<16xi32> to vector<16xi32>
    %swap3A_52 = arith.constant 0 : index
    %swap3A_53 = tpu.vector_load %arg7[%swap3A_52] {strides = array<i32>} : memref<32xi32, #tpu.memory_space<vmem>>, vector<16xi32>,
    %swap3A_54 = vector.shape_cast %swap3A_53 : vector<16xi32> to vector<16xi32>
    %swap3A_55 = vector.shape_cast %get3A_51 : vector<16xi32> to vector<16xi32>
    tpu.vector_store %arg7[%swap3A_52], %swap3A_55 {strides = array<i32>} : memref<32xi32, #tpu.memory_space<vmem>>, vector<16xi32>,
    %get3A_56 = arith.constant 48 : index
    %get3A_57 = tpu.vector_load %arg5[%get3A_56] {strides = array<i32>} : memref<256xi32, #tpu.memory_space<vmem>>, vector<16xi32>,
    %get3A_58 = vector.shape_cast %get3A_57 : vector<16xi32> to vector<16xi32>
    %swap3A_59 = arith.constant 16 : index
    %swap3A_60 = tpu.vector_load %arg7[%swap3A_59] {strides = array<i32>} : memref<32xi32, #tpu.memory_space<vmem>>, vector<16xi32>,
    %swap3A_61 = vector.shape_cast %swap3A_60 : vector<16xi32> to vector<16xi32>
    %swap3A_62 = vector.shape_cast %get3A_58 : vector<16xi32> to vector<16xi32>
    tpu.vector_store %arg7[%swap3A_59], %swap3A_62 {strides = array<i32>} : memref<32xi32, #tpu.memory_space<vmem>>, vector<16xi32>,
    %dma_start3A_63 = arith.constant 0 : i32
    %dma_start3A_64 = arith.constant 0 : i32
    %dma_start3A_65 = tpu.memref_slice %arg3[%dma_start3A_63, %dma_start3A_64] : memref<100000x768xf32, #tpu.memory_space<hbm>> -> memref<100000x768xf32, #tpu.memory_space<hbm>>
    tpu.enqueue_indirect_dma source(%dma_start3A_65 : memref<100000x768xf32, #tpu.memory_space<hbm>>) target(%arg12 : memref<32x768xf32, #tpu.memory_space<vmem>>) offsets(%arg7 : memref<32xi32, #tpu.memory_space<vmem>>) semaphore(%arg17 : memref<!tpu.dma_semaphore, #tpu.memory_space<semaphore_mem>>)
    %get3A_66 = arith.constant 64 : index
    %get3A_67 = tpu.vector_load %arg5[%get3A_66] {strides = array<i32>} : memref<256xi32, #tpu.memory_space<vmem>>, vector<16xi32>,
    %get3A_68 = vector.shape_cast %get3A_67 : vector<16xi32> to vector<16xi32>
    %swap3A_69 = arith.constant 0 : index
    %swap3A_70 = tpu.vector_load %arg8[%swap3A_69] {strides = array<i32>} : memref<32xi32, #tpu.memory_space<vmem>>, vector<16xi32>,
    %swap3A_71 = vector.shape_cast %swap3A_70 : vector<16xi32> to vector<16xi32>
    %swap3A_72 = vector.shape_cast %get3A_68 : vector<16xi32> to vector<16xi32>
    tpu.vector_store %arg8[%swap3A_69], %swap3A_72 {strides = array<i32>} : memref<32xi32, #tpu.memory_space<vmem>>, vector<16xi32>,
    %get3A_73 = arith.constant 80 : index
    %get3A_74 = tpu.vector_load %arg5[%get3A_73] {strides = array<i32>} : memref<256xi32, #tpu.memory_space<vmem>>, vector<16xi32>,
    %get3A_75 = vector.shape_cast %get3A_74 : vector<16xi32> to vector<16xi32>
    %swap3A_76 = arith.constant 16 : index
    %swap3A_77 = tpu.vector_load %arg8[%swap3A_76] {strides = array<i32>} : memref<32xi32, #tpu.memory_space<vmem>>, vector<16xi32>,
    %swap3A_78 = vector.shape_cast %swap3A_77 : vector<16xi32> to vector<16xi32>
    %swap3A_79 = vector.shape_cast %get3A_75 : vector<16xi32> to vector<16xi32>
    tpu.vector_store %arg8[%swap3A_76], %swap3A_79 {strides = array<i32>} : memref<32xi32, #tpu.memory_space<vmem>>, vector<16xi32>,
    %dma_start3A_80 = arith.constant 0 : i32
    %dma_start3A_81 = arith.constant 0 : i32
    %dma_start3A_82 = tpu.memref_slice %arg3[%dma_start3A_80, %dma_start3A_81] : memref<100000x768xf32, #tpu.memory_space<hbm>> -> memref<100000x768xf32, #tpu.memory_space<hbm>>
    tpu.enqueue_indirect_dma source(%dma_start3A_82 : memref<100000x768xf32, #tpu.memory_space<hbm>>) target(%arg13 : memref<32x768xf32, #tpu.memory_space<vmem>>) offsets(%arg8 : memref<32xi32, #tpu.memory_space<vmem>>) semaphore(%arg18 : memref<!tpu.dma_semaphore, #tpu.memory_space<semaphore_mem>>)
    %get3A_83 = arith.constant 96 : index
    %get3A_84 = tpu.vector_load %arg5[%get3A_83] {strides = array<i32>} : memref<256xi32, #tpu.memory_space<vmem>>, vector<16xi32>,
    %get3A_85 = vector.shape_cast %get3A_84 : vector<16xi32> to vector<16xi32>
    %swap3A_86 = arith.constant 0 : index
    %swap3A_87 = tpu.vector_load %arg9[%swap3A_86] {strides = array<i32>} : memref<32xi32, #tpu.memory_space<vmem>>, vector<16xi32>,
    %swap3A_88 = vector.shape_cast %swap3A_87 : vector<16xi32> to vector<16xi32>
    %swap3A_89 = vector.shape_cast %get3A_85 : vector<16xi32> to vector<16xi32>
    tpu.vector_store %arg9[%swap3A_86], %swap3A_89 {strides = array<i32>} : memref<32xi32, #tpu.memory_space<vmem>>, vector<16xi32>,
    %get3A_90 = arith.constant 112 : index
    %get3A_91 = tpu.vector_load %arg5[%get3A_90] {strides = array<i32>} : memref<256xi32, #tpu.memory_space<vmem>>, vector<16xi32>,
    %get3A_92 = vector.shape_cast %get3A_91 : vector<16xi32> to vector<16xi32>
    %swap3A_93 = arith.constant 16 : index
    %swap3A_94 = tpu.vector_load %arg9[%swap3A_93] {strides = array<i32>} : memref<32xi32, #tpu.memory_space<vmem>>, vector<16xi32>,
    %swap3A_95 = vector.shape_cast %swap3A_94 : vector<16xi32> to vector<16xi32>
    %swap3A_96 = vector.shape_cast %get3A_92 : vector<16xi32> to vector<16xi32>
    tpu.vector_store %arg9[%swap3A_93], %swap3A_96 {strides = array<i32>} : memref<32xi32, #tpu.memory_space<vmem>>, vector<16xi32>,
    %dma_start3A_97 = arith.constant 0 : i32
    %dma_start3A_98 = arith.constant 0 : i32
    %dma_start3A_99 = tpu.memref_slice %arg3[%dma_start3A_97, %dma_start3A_98] : memref<100000x768xf32, #tpu.memory_space<hbm>> -> memref<100000x768xf32, #tpu.memory_space<hbm>>
    tpu.enqueue_indirect_dma source(%dma_start3A_99 : memref<100000x768xf32, #tpu.memory_space<hbm>>) target(%arg14 : memref<32x768xf32, #tpu.memory_space<vmem>>) offsets(%arg9 : memref<32xi32, #tpu.memory_space<vmem>>) semaphore(%arg19 : memref<!tpu.dma_semaphore, #tpu.memory_space<semaphore_mem>>)
    %add3A_100 = arith.constant 128 : i32
    %add3A_101 = arith.addi %mul3A_34, %add3A_100 : i32
    "tpu.region"() ({
      %run_scoped3A = tpu.sem_alloc : memref<!tpu.dma_semaphore, #tpu.memory_space<semaphore_mem>>
      %dma_start3A_273 = arith.constant 128 : i32
      %dma_start3A_274 = tpu.memref_slice %arg5[%dma_start3A_273] : memref<256xi32, #tpu.memory_space<vmem>> -> memref<128xi32, #tpu.memory_space<vmem>>
      %dma_start3A_275 = tpu.memref_slice %arg2[%select_n3A, %add3A_101] : memref<4x2048xi32, #tpu.memory_space<hbm>> -> memref<1x128xi32, #tpu.memory_space<hbm>>
      %dma_start3A_276 = tpu.memref_squeeze %dma_start3A_275 : memref<1x128xi32, #tpu.memory_space<hbm>> -> memref<128xi32, #tpu.memory_space<hbm>>
      %dma_start3A_277 = arith.constant 128 : i32
      %dma_start3A_278 = tpu.memref_slice %arg5[%dma_start3A_277] : memref<256xi32, #tpu.memory_space<vmem>> -> memref<128xi32, #tpu.memory_space<vmem>>
      %dma_start3A_279 = tpu.memref_slice %arg2[%select_n3A, %add3A_101] : memref<4x2048xi32, #tpu.memory_space<hbm>> -> memref<1x128xi32, #tpu.memory_space<hbm>>
      %dma_start3A_280 = tpu.memref_squeeze %dma_start3A_279 : memref<1x128xi32, #tpu.memory_space<hbm>> -> memref<128xi32, #tpu.memory_space<hbm>>
      tpu.enqueue_dma source(%dma_start3A_280 : memref<128xi32, #tpu.memory_space<hbm>>) target(%dma_start3A_278 : memref<128xi32, #tpu.memory_space<vmem>>) target_semaphore(%run_scoped3A : memref<!tpu.dma_semaphore, #tpu.memory_space<semaphore_mem>>)
      %dma_wait3A_281 = arith.constant 128 : i32
      %dma_wait3A_282 = tpu.memref_slice %arg5[%dma_wait3A_281] : memref<256xi32, #tpu.memory_space<vmem>> -> memref<128xi32, #tpu.memory_space<vmem>>
      %dma_wait3A_283 = tpu.memref_slice %arg2[%select_n3A, %add3A_101] : memref<4x2048xi32, #tpu.memory_space<hbm>> -> memref<1x128xi32, #tpu.memory_space<hbm>>
      %dma_wait3A_284 = tpu.memref_squeeze %dma_wait3A_283 : memref<1x128xi32, #tpu.memory_space<hbm>> -> memref<128xi32, #tpu.memory_space<hbm>>
      %dma_wait3A_285 = arith.constant 128 : i32
      %dma_wait3A_286 = tpu.memref_slice %arg5[%dma_wait3A_285] : memref<256xi32, #tpu.memory_space<vmem>> -> memref<128xi32, #tpu.memory_space<vmem>>
      %dma_wait3A_287 = tpu.memref_slice %arg2[%select_n3A, %add3A_101] : memref<4x2048xi32, #tpu.memory_space<hbm>> -> memref<1x128xi32, #tpu.memory_space<hbm>>
      %dma_wait3A_288 = tpu.memref_squeeze %dma_wait3A_287 : memref<1x128xi32, #tpu.memory_space<hbm>> -> memref<128xi32, #tpu.memory_space<hbm>>
      tpu.wait_dma2 semaphore(%run_scoped3A : memref<!tpu.dma_semaphore, #tpu.memory_space<semaphore_mem>>) src(%dma_wait3A_288 : memref<128xi32, #tpu.memory_space<hbm>>) dst(%dma_wait3A_286 : memref<128xi32, #tpu.memory_space<vmem>>)
      tpu.yield
    }) : () -> ()
    %get3A_102 = arith.constant 128 : index
    %get3A_103 = tpu.vector_load %arg5[%get3A_102] {strides = array<i32>} : memref<256xi32, #tpu.memory_space<vmem>>, vector<16xi32>,
    %get3A_104 = vector.shape_cast %get3A_103 : vector<16xi32> to vector<16xi32>
    %swap3A_105 = arith.constant 0 : index
    %swap3A_106 = tpu.vector_load %arg10[%swap3A_105] {strides = array<i32>} : memref<32xi32, #tpu.memory_space<vmem>>, vector<16xi32>,
    %swap3A_107 = vector.shape_cast %swap3A_106 : vector<16xi32> to vector<16xi32>
    %swap3A_108 = vector.shape_cast %get3A_104 : vector<16xi32> to vector<16xi32>
    tpu.vector_store %arg10[%swap3A_105], %swap3A_108 {strides = array<i32>} : memref<32xi32, #tpu.memory_space<vmem>>, vector<16xi32>,
    %get3A_109 = arith.constant 144 : index
    %get3A_110 = tpu.vector_load %arg5[%get3A_109] {strides = array<i32>} : memref<256xi32, #tpu.memory_space<vmem>>, vector<16xi32>,
    %get3A_111 = vector.shape_cast %get3A_110 : vector<16xi32> to vector<16xi32>
    %swap3A_112 = arith.constant 16 : index
    %swap3A_113 = tpu.vector_load %arg10[%swap3A_112] {strides = array<i32>} : memref<32xi32, #tpu.memory_space<vmem>>, vector<16xi32>,
    %swap3A_114 = vector.shape_cast %swap3A_113 : vector<16xi32> to vector<16xi32>
    %swap3A_115 = vector.shape_cast %get3A_111 : vector<16xi32> to vector<16xi32>
    tpu.vector_store %arg10[%swap3A_112], %swap3A_115 {strides = array<i32>} : memref<32xi32, #tpu.memory_space<vmem>>, vector<16xi32>,
    %dma_start3A_116 = arith.constant 0 : i32
    %dma_start3A_117 = arith.constant 0 : i32
    %dma_start3A_118 = tpu.memref_slice %arg3[%dma_start3A_116, %dma_start3A_117] : memref<100000x768xf32, #tpu.memory_space<hbm>> -> memref<100000x768xf32, #tpu.memory_space<hbm>>
    tpu.enqueue_indirect_dma source(%dma_start3A_118 : memref<100000x768xf32, #tpu.memory_space<hbm>>) target(%arg15 : memref<32x768xf32, #tpu.memory_space<vmem>>) offsets(%arg10 : memref<32xi32, #tpu.memory_space<vmem>>) semaphore(%arg20 : memref<!tpu.dma_semaphore, #tpu.memory_space<semaphore_mem>>)
    %dma_wait3A = arith.constant 0 : i32
    %dma_wait3A_119 = arith.constant 0 : i32
    %dma_wait3A_120 = tpu.memref_slice %arg3[%dma_wait3A, %dma_wait3A_119] : memref<100000x768xf32, #tpu.memory_space<hbm>> -> memref<100000x768xf32, #tpu.memory_space<hbm>>
    tpu.wait_indirect_dma semaphore(%arg16 : memref<!tpu.dma_semaphore, #tpu.memory_space<semaphore_mem>>) src(%dma_wait3A_120 : memref<100000x768xf32, #tpu.memory_space<hbm>>) dst(%arg11 : memref<32x768xf32, #tpu.memory_space<vmem>>)
    %add3A_121 = arith.constant 0 : i32
    %add3A_122 = arith.addi %mul3A_2, %add3A_121 : i32
    %dma_start3A_123 = arith.constant 0 : i32
    %dma_start3A_124 = tpu.memref_slice %arg4[%add3A_122, %dma_start3A_123] : memref<8192x768xf32, #tpu.memory_space<hbm>> -> memref<32x768xf32, #tpu.memory_space<hbm>>
    %dma_start3A_125 = arith.constant 0 : i32
    %dma_start3A_126 = tpu.memref_slice %arg4[%add3A_122, %dma_start3A_125] : memref<8192x768xf32, #tpu.memory_space<hbm>> -> memref<32x768xf32, #tpu.memory_space<hbm>>
    tpu.enqueue_dma source(%arg11 : memref<32x768xf32, #tpu.memory_space<vmem>>) target(%dma_start3A_126 : memref<32x768xf32, #tpu.memory_space<hbm>>) target_semaphore(%arg21 : memref<!tpu.dma_semaphore, #tpu.memory_space<semaphore_mem>>)
    %dma_wait3A_127 = arith.constant 0 : i32
    %dma_wait3A_128 = tpu.memref_slice %arg4[%add3A_122, %dma_wait3A_127] : memref<8192x768xf32, #tpu.memory_space<hbm>> -> memref<32x768xf32, #tpu.memory_space<hbm>>
    %dma_wait3A_129 = arith.constant 0 : i32
    %dma_wait3A_130 = tpu.memref_slice %arg4[%add3A_122, %dma_wait3A_129] : memref<8192x768xf32, #tpu.memory_space<hbm>> -> memref<32x768xf32, #tpu.memory_space<hbm>>
    tpu.wait_dma2 semaphore(%arg21 : memref<!tpu.dma_semaphore, #tpu.memory_space<semaphore_mem>>) src(%arg11 : memref<32x768xf32, #tpu.memory_space<vmem>>) dst(%dma_wait3A_130 : memref<32x768xf32, #tpu.memory_space<hbm>>)
    %get3A_131 = arith.constant 160 : index
    %get3A_132 = tpu.vector_load %arg5[%get3A_131] {strides = array<i32>} : memref<256xi32, #tpu.memory_space<vmem>>, vector<16xi32>,
    %get3A_133 = vector.shape_cast %get3A_132 : vector<16xi32> to vector<16xi32>
    %swap3A_134 = arith.constant 0 : index
    %swap3A_135 = tpu.vector_load %arg6[%swap3A_134] {strides = array<i32>} : memref<32xi32, #tpu.memory_space<vmem>>, vector<16xi32>,
    %swap3A_136 = vector.shape_cast %swap3A_135 : vector<16xi32> to vector<16xi32>
    %swap3A_137 = vector.shape_cast %get3A_133 : vector<16xi32> to vector<16xi32>
    tpu.vector_store %arg6[%swap3A_134], %swap3A_137 {strides = array<i32>} : memref<32xi32, #tpu.memory_space<vmem>>, vector<16xi32>,
    %get3A_138 = arith.constant 176 : index
    %get3A_139 = tpu.vector_load %arg5[%get3A_138] {strides = array<i32>} : memref<256xi32, #tpu.memory_space<vmem>>, vector<16xi32>,
    %get3A_140 = vector.shape_cast %get3A_139 : vector<16xi32> to vector<16xi32>
    %swap3A_141 = arith.constant 16 : index
    %swap3A_142 = tpu.vector_load %arg6[%swap3A_141] {strides = array<i32>} : memref<32xi32, #tpu.memory_space<vmem>>, vector<16xi32>,
    %swap3A_143 = vector.shape_cast %swap3A_142 : vector<16xi32> to vector<16xi32>
    %swap3A_144 = vector.shape_cast %get3A_140 : vector<16xi32> to vector<16xi32>
    tpu.vector_store %arg6[%swap3A_141], %swap3A_144 {strides = array<i32>} : memref<32xi32, #tpu.memory_space<vmem>>, vector<16xi32>,
    %dma_start3A_145 = arith.constant 0 : i32
    %dma_start3A_146 = arith.constant 0 : i32
    %dma_start3A_147 = tpu.memref_slice %arg3[%dma_start3A_145, %dma_start3A_146] : memref<100000x768xf32, #tpu.memory_space<hbm>> -> memref<100000x768xf32, #tpu.memory_space<hbm>>
    tpu.enqueue_indirect_dma source(%dma_start3A_147 : memref<100000x768xf32, #tpu.memory_space<hbm>>) target(%arg11 : memref<32x768xf32, #tpu.memory_space<vmem>>) offsets(%arg6 : memref<32xi32, #tpu.memory_space<vmem>>) semaphore(%arg16 : memref<!tpu.dma_semaphore, #tpu.memory_space<semaphore_mem>>)
    %dma_wait3A_148 = arith.constant 0 : i32
    %dma_wait3A_149 = arith.constant 0 : i32
    %dma_wait3A_150 = tpu.memref_slice %arg3[%dma_wait3A_148, %dma_wait3A_149] : memref<100000x768xf32, #tpu.memory_space<hbm>> -> memref<100000x768xf32, #tpu.memory_space<hbm>>
    tpu.wait_indirect_dma semaphore(%arg17 : memref<!tpu.dma_semaphore, #tpu.memory_space<semaphore_mem>>) src(%dma_wait3A_150 : memref<100000x768xf32, #tpu.memory_space<hbm>>) dst(%arg12 : memref<32x768xf32, #tpu.memory_space<vmem>>)
    %add3A_151 = arith.constant 32 : i32
    %add3A_152 = arith.addi %mul3A_2, %add3A_151 : i32
    %dma_start3A_153 = arith.constant 0 : i32
    %dma_start3A_154 = tpu.memref_slice %arg4[%add3A_152, %dma_start3A_153] : memref<8192x768xf32, #tpu.memory_space<hbm>> -> memref<32x768xf32, #tpu.memory_space<hbm>>
    %dma_start3A_155 = arith.constant 0 : i32
    %dma_start3A_156 = tpu.memref_slice %arg4[%add3A_152, %dma_start3A_155] : memref<8192x768xf32, #tpu.memory_space<hbm>> -> memref<32x768xf32, #tpu.memory_space<hbm>>
    tpu.enqueue_dma source(%arg12 : memref<32x768xf32, #tpu.memory_space<vmem>>) target(%dma_start3A_156 : memref<32x768xf32, #tpu.memory_space<hbm>>) target_semaphore(%arg22 : memref<!tpu.dma_semaphore, #tpu.memory_space<semaphore_mem>>)
    %dma_wait3A_157 = arith.constant 0 : i32
    %dma_wait3A_158 = tpu.memref_slice %arg4[%add3A_152, %dma_wait3A_157] : memref<8192x768xf32, #tpu.memory_space<hbm>> -> memref<32x768xf32, #tpu.memory_space<hbm>>
    %dma_wait3A_159 = arith.constant 0 : i32
    %dma_wait3A_160 = tpu.memref_slice %arg4[%add3A_152, %dma_wait3A_159] : memref<8192x768xf32, #tpu.memory_space<hbm>> -> memref<32x768xf32, #tpu.memory_space<hbm>>
    tpu.wait_dma2 semaphore(%arg22 : memref<!tpu.dma_semaphore, #tpu.memory_space<semaphore_mem>>) src(%arg12 : memref<32x768xf32, #tpu.memory_space<vmem>>) dst(%dma_wait3A_160 : memref<32x768xf32, #tpu.memory_space<hbm>>)
    %get3A_161 = arith.constant 192 : index
    %get3A_162 = tpu.vector_load %arg5[%get3A_161] {strides = array<i32>} : memref<256xi32, #tpu.memory_space<vmem>>, vector<16xi32>,
    %get3A_163 = vector.shape_cast %get3A_162 : vector<16xi32> to vector<16xi32>
    %swap3A_164 = arith.constant 0 : index
    %swap3A_165 = tpu.vector_load %arg7[%swap3A_164] {strides = array<i32>} : memref<32xi32, #tpu.memory_space<vmem>>, vector<16xi32>,
    %swap3A_166 = vector.shape_cast %swap3A_165 : vector<16xi32> to vector<16xi32>
    %swap3A_167 = vector.shape_cast %get3A_163 : vector<16xi32> to vector<16xi32>
    tpu.vector_store %arg7[%swap3A_164], %swap3A_167 {strides = array<i32>} : memref<32xi32, #tpu.memory_space<vmem>>, vector<16xi32>,
    %get3A_168 = arith.constant 208 : index
    %get3A_169 = tpu.vector_load %arg5[%get3A_168] {strides = array<i32>} : memref<256xi32, #tpu.memory_space<vmem>>, vector<16xi32>,
    %get3A_170 = vector.shape_cast %get3A_169 : vector<16xi32> to vector<16xi32>
    %swap3A_171 = arith.constant 16 : index
    %swap3A_172 = tpu.vector_load %arg7[%swap3A_171] {strides = array<i32>} : memref<32xi32, #tpu.memory_space<vmem>>, vector<16xi32>,
    %swap3A_173 = vector.shape_cast %swap3A_172 : vector<16xi32> to vector<16xi32>
    %swap3A_174 = vector.shape_cast %get3A_170 : vector<16xi32> to vector<16xi32>
    tpu.vector_store %arg7[%swap3A_171], %swap3A_174 {strides = array<i32>} : memref<32xi32, #tpu.memory_space<vmem>>, vector<16xi32>,
    %dma_start3A_175 = arith.constant 0 : i32
    %dma_start3A_176 = arith.constant 0 : i32
    %dma_start3A_177 = tpu.memref_slice %arg3[%dma_start3A_175, %dma_start3A_176] : memref<100000x768xf32, #tpu.memory_space<hbm>> -> memref<100000x768xf32, #tpu.memory_space<hbm>>
    tpu.enqueue_indirect_dma source(%dma_start3A_177 : memref<100000x768xf32, #tpu.memory_space<hbm>>) target(%arg12 : memref<32x768xf32, #tpu.memory_space<vmem>>) offsets(%arg7 : memref<32xi32, #tpu.memory_space<vmem>>) semaphore(%arg17 : memref<!tpu.dma_semaphore, #tpu.memory_space<semaphore_mem>>)
    %dma_wait3A_178 = arith.constant 0 : i32
    %dma_wait3A_179 = arith.constant 0 : i32
    %dma_wait3A_180 = tpu.memref_slice %arg3[%dma_wait3A_178, %dma_wait3A_179] : memref<100000x768xf32, #tpu.memory_space<hbm>> -> memref<100000x768xf32, #tpu.memory_space<hbm>>
    tpu.wait_indirect_dma semaphore(%arg18 : memref<!tpu.dma_semaphore, #tpu.memory_space<semaphore_mem>>) src(%dma_wait3A_180 : memref<100000x768xf32, #tpu.memory_space<hbm>>) dst(%arg13 : memref<32x768xf32, #tpu.memory_space<vmem>>)
    %add3A_181 = arith.constant 64 : i32
    %add3A_182 = arith.addi %mul3A_2, %add3A_181 : i32
    %dma_start3A_183 = arith.constant 0 : i32
    %dma_start3A_184 = tpu.memref_slice %arg4[%add3A_182, %dma_start3A_183] : memref<8192x768xf32, #tpu.memory_space<hbm>> -> memref<32x768xf32, #tpu.memory_space<hbm>>
    %dma_start3A_185 = arith.constant 0 : i32
    %dma_start3A_186 = tpu.memref_slice %arg4[%add3A_182, %dma_start3A_185] : memref<8192x768xf32, #tpu.memory_space<hbm>> -> memref<32x768xf32, #tpu.memory_space<hbm>>
    tpu.enqueue_dma source(%arg13 : memref<32x768xf32, #tpu.memory_space<vmem>>) target(%dma_start3A_186 : memref<32x768xf32, #tpu.memory_space<hbm>>) target_semaphore(%arg23 : memref<!tpu.dma_semaphore, #tpu.memory_space<semaphore_mem>>)
    %dma_wait3A_187 = arith.constant 0 : i32
    %dma_wait3A_188 = tpu.memref_slice %arg4[%add3A_182, %dma_wait3A_187] : memref<8192x768xf32, #tpu.memory_space<hbm>> -> memref<32x768xf32, #tpu.memory_space<hbm>>
    %dma_wait3A_189 = arith.constant 0 : i32
    %dma_wait3A_190 = tpu.memref_slice %arg4[%add3A_182, %dma_wait3A_189] : memref<8192x768xf32, #tpu.memory_space<hbm>> -> memref<32x768xf32, #tpu.memory_space<hbm>>
    tpu.wait_dma2 semaphore(%arg23 : memref<!tpu.dma_semaphore, #tpu.memory_space<semaphore_mem>>) src(%arg13 : memref<32x768xf32, #tpu.memory_space<vmem>>) dst(%dma_wait3A_190 : memref<32x768xf32, #tpu.memory_space<hbm>>)
    %get3A_191 = arith.constant 224 : index
    %get3A_192 = tpu.vector_load %arg5[%get3A_191] {strides = array<i32>} : memref<256xi32, #tpu.memory_space<vmem>>, vector<16xi32>,
    %get3A_193 = vector.shape_cast %get3A_192 : vector<16xi32> to vector<16xi32>
    %swap3A_194 = arith.constant 0 : index
    %swap3A_195 = tpu.vector_load %arg8[%swap3A_194] {strides = array<i32>} : memref<32xi32, #tpu.memory_space<vmem>>, vector<16xi32>,
    %swap3A_196 = vector.shape_cast %swap3A_195 : vector<16xi32> to vector<16xi32>
    %swap3A_197 = vector.shape_cast %get3A_193 : vector<16xi32> to vector<16xi32>
    tpu.vector_store %arg8[%swap3A_194], %swap3A_197 {strides = array<i32>} : memref<32xi32, #tpu.memory_space<vmem>>, vector<16xi32>,
    %get3A_198 = arith.constant 240 : index
    %get3A_199 = tpu.vector_load %arg5[%get3A_198] {strides = array<i32>} : memref<256xi32, #tpu.memory_space<vmem>>, vector<16xi32>,
    %get3A_200 = vector.shape_cast %get3A_199 : vector<16xi32> to vector<16xi32>
    %swap3A_201 = arith.constant 16 : index
    %swap3A_202 = tpu.vector_load %arg8[%swap3A_201] {strides = array<i32>} : memref<32xi32, #tpu.memory_space<vmem>>, vector<16xi32>,
    %swap3A_203 = vector.shape_cast %swap3A_202 : vector<16xi32> to vector<16xi32>
    %swap3A_204 = vector.shape_cast %get3A_200 : vector<16xi32> to vector<16xi32>
    tpu.vector_store %arg8[%swap3A_201], %swap3A_204 {strides = array<i32>} : memref<32xi32, #tpu.memory_space<vmem>>, vector<16xi32>,
    %dma_start3A_205 = arith.constant 0 : i32
    %dma_start3A_206 = arith.constant 0 : i32
    %dma_start3A_207 = tpu.memref_slice %arg3[%dma_start3A_205, %dma_start3A_206] : memref<100000x768xf32, #tpu.memory_space<hbm>> -> memref<100000x768xf32, #tpu.memory_space<hbm>>
    tpu.enqueue_indirect_dma source(%dma_start3A_207 : memref<100000x768xf32, #tpu.memory_space<hbm>>) target(%arg13 : memref<32x768xf32, #tpu.memory_space<vmem>>) offsets(%arg8 : memref<32xi32, #tpu.memory_space<vmem>>) semaphore(%arg18 : memref<!tpu.dma_semaphore, #tpu.memory_space<semaphore_mem>>)
    %dma_wait3A_208 = arith.constant 0 : i32
    %dma_wait3A_209 = arith.constant 0 : i32
    %dma_wait3A_210 = tpu.memref_slice %arg3[%dma_wait3A_208, %dma_wait3A_209] : memref<100000x768xf32, #tpu.memory_space<hbm>> -> memref<100000x768xf32, #tpu.memory_space<hbm>>
    tpu.wait_indirect_dma semaphore(%arg19 : memref<!tpu.dma_semaphore, #tpu.memory_space<semaphore_mem>>) src(%dma_wait3A_210 : memref<100000x768xf32, #tpu.memory_space<hbm>>) dst(%arg14 : memref<32x768xf32, #tpu.memory_space<vmem>>)
    %add3A_211 = arith.constant 96 : i32
    %add3A_212 = arith.addi %mul3A_2, %add3A_211 : i32
    %dma_start3A_213 = arith.constant 0 : i32
    %dma_start3A_214 = tpu.memref_slice %arg4[%add3A_212, %dma_start3A_213] : memref<8192x768xf32, #tpu.memory_space<hbm>> -> memref<32x768xf32, #tpu.memory_space<hbm>>
    %dma_start3A_215 = arith.constant 0 : i32
    %dma_start3A_216 = tpu.memref_slice %arg4[%add3A_212, %dma_start3A_215] : memref<8192x768xf32, #tpu.memory_space<hbm>> -> memref<32x768xf32, #tpu.memory_space<hbm>>
    tpu.enqueue_dma source(%arg14 : memref<32x768xf32, #tpu.memory_space<vmem>>) target(%dma_start3A_216 : memref<32x768xf32, #tpu.memory_space<hbm>>) target_semaphore(%arg24 : memref<!tpu.dma_semaphore, #tpu.memory_space<semaphore_mem>>)
    %dma_wait3A_217 = arith.constant 0 : i32
    %dma_wait3A_218 = arith.constant 0 : i32
    %dma_wait3A_219 = tpu.memref_slice %arg3[%dma_wait3A_217, %dma_wait3A_218] : memref<100000x768xf32, #tpu.memory_space<hbm>> -> memref<100000x768xf32, #tpu.memory_space<hbm>>
    tpu.wait_indirect_dma semaphore(%arg20 : memref<!tpu.dma_semaphore, #tpu.memory_space<semaphore_mem>>) src(%dma_wait3A_219 : memref<100000x768xf32, #tpu.memory_space<hbm>>) dst(%arg15 : memref<32x768xf32, #tpu.memory_space<vmem>>)
    %add3A_220 = arith.constant 128 : i32
    %add3A_221 = arith.addi %mul3A_2, %add3A_220 : i32
    %dma_start3A_222 = arith.constant 0 : i32
    %dma_start3A_223 = tpu.memref_slice %arg4[%add3A_221, %dma_start3A_222] : memref<8192x768xf32, #tpu.memory_space<hbm>> -> memref<32x768xf32, #tpu.memory_space<hbm>>
    %dma_start3A_224 = arith.constant 0 : i32
    %dma_start3A_225 = tpu.memref_slice %arg4[%add3A_221, %dma_start3A_224] : memref<8192x768xf32, #tpu.memory_space<hbm>> -> memref<32x768xf32, #tpu.memory_space<hbm>>
    tpu.enqueue_dma source(%arg15 : memref<32x768xf32, #tpu.memory_space<vmem>>) target(%dma_start3A_225 : memref<32x768xf32, #tpu.memory_space<hbm>>) target_semaphore(%arg25 : memref<!tpu.dma_semaphore, #tpu.memory_space<semaphore_mem>>)
    %dma_wait3A_226 = arith.constant 0 : i32
    %dma_wait3A_227 = arith.constant 0 : i32
    %dma_wait3A_228 = tpu.memref_slice %arg3[%dma_wait3A_226, %dma_wait3A_227] : memref<100000x768xf32, #tpu.memory_space<hbm>> -> memref<100000x768xf32, #tpu.memory_space<hbm>>
    tpu.wait_indirect_dma semaphore(%arg16 : memref<!tpu.dma_semaphore, #tpu.memory_space<semaphore_mem>>) src(%dma_wait3A_228 : memref<100000x768xf32, #tpu.memory_space<hbm>>) dst(%arg11 : memref<32x768xf32, #tpu.memory_space<vmem>>)
    %add3A_229 = arith.constant 160 : i32
    %add3A_230 = arith.addi %mul3A_2, %add3A_229 : i32
    %dma_start3A_231 = arith.constant 0 : i32
    %dma_start3A_232 = tpu.memref_slice %arg4[%add3A_230, %dma_start3A_231] : memref<8192x768xf32, #tpu.memory_space<hbm>> -> memref<32x768xf32, #tpu.memory_space<hbm>>
    %dma_start3A_233 = arith.constant 0 : i32
    %dma_start3A_234 = tpu.memref_slice %arg4[%add3A_230, %dma_start3A_233] : memref<8192x768xf32, #tpu.memory_space<hbm>> -> memref<32x768xf32, #tpu.memory_space<hbm>>
    tpu.enqueue_dma source(%arg11 : memref<32x768xf32, #tpu.memory_space<vmem>>) target(%dma_start3A_234 : memref<32x768xf32, #tpu.memory_space<hbm>>) target_semaphore(%arg21 : memref<!tpu.dma_semaphore, #tpu.memory_space<semaphore_mem>>)
    %dma_wait3A_235 = arith.constant 0 : i32
    %dma_wait3A_236 = arith.constant 0 : i32
    %dma_wait3A_237 = tpu.memref_slice %arg3[%dma_wait3A_235, %dma_wait3A_236] : memref<100000x768xf32, #tpu.memory_space<hbm>> -> memref<100000x768xf32, #tpu.memory_space<hbm>>
    tpu.wait_indirect_dma semaphore(%arg17 : memref<!tpu.dma_semaphore, #tpu.memory_space<semaphore_mem>>) src(%dma_wait3A_237 : memref<100000x768xf32, #tpu.memory_space<hbm>>) dst(%arg12 : memref<32x768xf32, #tpu.memory_space<vmem>>)
    %add3A_238 = arith.constant 192 : i32
    %add3A_239 = arith.addi %mul3A_2, %add3A_238 : i32
    %dma_start3A_240 = arith.constant 0 : i32
    %dma_start3A_241 = tpu.memref_slice %arg4[%add3A_239, %dma_start3A_240] : memref<8192x768xf32, #tpu.memory_space<hbm>> -> memref<32x768xf32, #tpu.memory_space<hbm>>
    %dma_start3A_242 = arith.constant 0 : i32
    %dma_start3A_243 = tpu.memref_slice %arg4[%add3A_239, %dma_start3A_242] : memref<8192x768xf32, #tpu.memory_space<hbm>> -> memref<32x768xf32, #tpu.memory_space<hbm>>
    tpu.enqueue_dma source(%arg12 : memref<32x768xf32, #tpu.memory_space<vmem>>) target(%dma_start3A_243 : memref<32x768xf32, #tpu.memory_space<hbm>>) target_semaphore(%arg22 : memref<!tpu.dma_semaphore, #tpu.memory_space<semaphore_mem>>)
    %dma_wait3A_244 = arith.constant 0 : i32
    %dma_wait3A_245 = arith.constant 0 : i32
    %dma_wait3A_246 = tpu.memref_slice %arg3[%dma_wait3A_244, %dma_wait3A_245] : memref<100000x768xf32, #tpu.memory_space<hbm>> -> memref<100000x768xf32, #tpu.memory_space<hbm>>
    tpu.wait_indirect_dma semaphore(%arg18 : memref<!tpu.dma_semaphore, #tpu.memory_space<semaphore_mem>>) src(%dma_wait3A_246 : memref<100000x768xf32, #tpu.memory_space<hbm>>) dst(%arg13 : memref<32x768xf32, #tpu.memory_space<vmem>>)
    %add3A_247 = arith.constant 224 : i32
    %add3A_248 = arith.addi %mul3A_2, %add3A_247 : i32
    %dma_start3A_249 = arith.constant 0 : i32
    %dma_start3A_250 = tpu.memref_slice %arg4[%add3A_248, %dma_start3A_249] : memref<8192x768xf32, #tpu.memory_space<hbm>> -> memref<32x768xf32, #tpu.memory_space<hbm>>
    %dma_start3A_251 = arith.constant 0 : i32
    %dma_start3A_252 = tpu.memref_slice %arg4[%add3A_248, %dma_start3A_251] : memref<8192x768xf32, #tpu.memory_space<hbm>> -> memref<32x768xf32, #tpu.memory_space<hbm>>
    tpu.enqueue_dma source(%arg13 : memref<32x768xf32, #tpu.memory_space<vmem>>) target(%dma_start3A_252 : memref<32x768xf32, #tpu.memory_space<hbm>>) target_semaphore(%arg23 : memref<!tpu.dma_semaphore, #tpu.memory_space<semaphore_mem>>)
    %dma_wait3A_253 = arith.constant 0 : i32
    %dma_wait3A_254 = tpu.memref_slice %arg4[%add3A_212, %dma_wait3A_253] : memref<8192x768xf32, #tpu.memory_space<hbm>> -> memref<32x768xf32, #tpu.memory_space<hbm>>
    %dma_wait3A_255 = arith.constant 0 : i32
    %dma_wait3A_256 = tpu.memref_slice %arg4[%add3A_212, %dma_wait3A_255] : memref<8192x768xf32, #tpu.memory_space<hbm>> -> memref<32x768xf32, #tpu.memory_space<hbm>>
    tpu.wait_dma2 semaphore(%arg24 : memref<!tpu.dma_semaphore, #tpu.memory_space<semaphore_mem>>) src(%arg14 : memref<32x768xf32, #tpu.memory_space<vmem>>) dst(%dma_wait3A_256 : memref<32x768xf32, #tpu.memory_space<hbm>>)
    %dma_wait3A_257 = arith.constant 0 : i32
    %dma_wait3A_258 = tpu.memref_slice %arg4[%add3A_221, %dma_wait3A_257] : memref<8192x768xf32, #tpu.memory_space<hbm>> -> memref<32x768xf32, #tpu.memory_space<hbm>>
    %dma_wait3A_259 = arith.constant 0 : i32
    %dma_wait3A_260 = tpu.memref_slice %arg4[%add3A_221, %dma_wait3A_259] : memref<8192x768xf32, #tpu.memory_space<hbm>> -> memref<32x768xf32, #tpu.memory_space<hbm>>
    tpu.wait_dma2 semaphore(%arg25 : memref<!tpu.dma_semaphore, #tpu.memory_space<semaphore_mem>>) src(%arg15 : memref<32x768xf32, #tpu.memory_space<vmem>>) dst(%dma_wait3A_260 : memref<32x768xf32, #tpu.memory_space<hbm>>)
    %dma_wait3A_261 = arith.constant 0 : i32
    %dma_wait3A_262 = tpu.memref_slice %arg4[%add3A_230, %dma_wait3A_261] : memref<8192x768xf32, #tpu.memory_space<hbm>> -> memref<32x768xf32, #tpu.memory_space<hbm>>
    %dma_wait3A_263 = arith.constant 0 : i32
    %dma_wait3A_264 = tpu.memref_slice %arg4[%add3A_230, %dma_wait3A_263] : memref<8192x768xf32, #tpu.memory_space<hbm>> -> memref<32x768xf32, #tpu.memory_space<hbm>>
    tpu.wait_dma2 semaphore(%arg21 : memref<!tpu.dma_semaphore, #tpu.memory_space<semaphore_mem>>) src(%arg11 : memref<32x768xf32, #tpu.memory_space<vmem>>) dst(%dma_wait3A_264 : memref<32x768xf32, #tpu.memory_space<hbm>>)
    %dma_wait3A_265 = arith.constant 0 : i32
    %dma_wait3A_266 = tpu.memref_slice %arg4[%add3A_239, %dma_wait3A_265] : memref<8192x768xf32, #tpu.memory_space<hbm>> -> memref<32x768xf32, #tpu.memory_space<hbm>>
    %dma_wait3A_267 = arith.constant 0 : i32
    %dma_wait3A_268 = tpu.memref_slice %arg4[%add3A_239, %dma_wait3A_267] : memref<8192x768xf32, #tpu.memory_space<hbm>> -> memref<32x768xf32, #tpu.memory_space<hbm>>
    tpu.wait_dma2 semaphore(%arg22 : memref<!tpu.dma_semaphore, #tpu.memory_space<semaphore_mem>>) src(%arg12 : memref<32x768xf32, #tpu.memory_space<vmem>>) dst(%dma_wait3A_268 : memref<32x768xf32, #tpu.memory_space<hbm>>)
    %dma_wait3A_269 = arith.constant 0 : i32
    %dma_wait3A_270 = tpu.memref_slice %arg4[%add3A_248, %dma_wait3A_269] : memref<8192x768xf32, #tpu.memory_space<hbm>> -> memref<32x768xf32, #tpu.memory_space<hbm>>
    %dma_wait3A_271 = arith.constant 0 : i32
    %dma_wait3A_272 = tpu.memref_slice %arg4[%add3A_248, %dma_wait3A_271] : memref<8192x768xf32, #tpu.memory_space<hbm>> -> memref<32x768xf32, #tpu.memory_space<hbm>>
    tpu.wait_dma2 semaphore(%arg23 : memref<!tpu.dma_semaphore, #tpu.memory_space<semaphore_mem>>) src(%arg13 : memref<32x768xf32, #tpu.memory_space<vmem>>) dst(%dma_wait3A_272 : memref<32x768xf32, #tpu.memory_space<hbm>>)
    return
  }
}

</mosaic_0001>

<sc_bundles>
// kernel: kernel.3.cloned.1.call-start
scs
__scs_entry_jumppad:
0x0: {  	(pc) =	sbr.rel $0x88, $3  }
0x1: {  	(tag) =	ssettag $0x0;
	lr =	simm.s32 $0x1  }
0x2: {  	[smem:$0x3F9F] =	sst lr;
	_ =	strace $0xD0000000  }
0x3: {  	_ = 	snop  }
0x4: {  	_ = 	snop  }
0x5: {  	_ = 	snop  }
0x6: {  	_ = 	snop  }
0x7: {  	_ = 	snop  }
__scs_overlays_trampoline_lowered:
0x8: {  	[smem:$0x3FAE] =	sst s0  }
0x9: {  	[smem:$0x3FAF] =	sst s1  }
0xa: {  	[smem:$0x3FB0] =	sst s2  }
0xb: {  	[smem:$0x3FB1] =	sst s3  }
0xc: {  	[smem:$0x3FB2] =	sst s4  }
0xd: {  	[smem:$0x3FB3] =	sst s5  }
0xe: {  	[smem:$0x3FB4] =	sst s6  }
0xf: {  	[smem:$0x3FB5] =	sst s7  }
0x10: {  	[smem:$0x3FB6] =	sst s8  }
0x11: {  	[smem:$0x3FB7] =	sst s9;
	s0 =	simm.s32 @!p0 $0x0  }
0x12: {  	s1 =	sld [smem:$0x3F9D];
	s0 =	simm.s32 @p0 $0x1  }
0x13: {  	[smem:$0x3FB8] =	sst s0;
	s0 =	simm.s32 @!p1 $0x0  }
0x14: {  	s2 =	sld [smem:$0x3F9C];
	s0 =	simm.s32 @p1 $0x1  }
0x15: {  	[smem:$0x3FB9] =	sst s0;
	s0 =	simm.s32 @!p2 $0x0  }
0x16: {  	s3 =	sld [smem:$0x3FDB];
	s0 =	simm.s32 @p2 $0x1  }
0x17: {  	s4 =	simm.s32 $0x1BF5;
	[smem:$0x3FBB] =	sst s0  }
0x18: {  	s0 =	sld [smem:$0x3F9E];
	_ =	swait.ge [sflag:s4], $0x0  }
0x19: {  	s7 =	sld [smem:$0x3F9F]  }
0x1a: {  	s8 =	sadd.s32 $0xFFFFE003, lr  }
0x1b: {  	s9 =	sadd.s32 $0xFFFFFEF7, lr;
	s5 =	simm.s32 $0xFFFFFFFF;
	p2 =	slt.u32 s8, $0xFFFFF086  }
0x1c: {  	p1 =	slt.u32 s9, $0xF7A;
	s5 =	simm.s32 @!p2 $0x0  }
0x1d: {  	s5 =	simm.s32 @p1 $0x1;
	p0 =	seq.s32 s7, s2  }
0x1e: {  	s7 =	smul.u32 @!p0 $0xF7A, s2;
	p2 =	seq.s32 @!p0 s5, $0x0  }
0x1f: {  	s9 =	smul.u32 $0xF7A, s1;
	s8 =	simm.s32 @!p0 $0x1BF5;
	p2 =	por !p2, p0  }
0x20: {  	[sflag:s8] =	ssyncset.s32 @!p0 $0xFFFFF086;
	s6 =	sadd.s32 @!p0 s3, s7;
	s7 =	simm.s32 @!p0 $0x108  }
0x21: {  	s3 =	sadd.s32 s3, s9;
	s6 =	sadd.s32 @!p0 $0x88, s6;
	s7 =	simm.s32 @p2 $0x1082  }
0x22: {  	[simem:s7], [sflag:s8] =	dma.local @!p0 [hbm:s6], $0xF7A  }
0x23: {  	s9 =	sor.u32 $0xD0000000, s2;
	s6 =	simm.s32 $0x108;
	_ =	swait.ge @!p0 [sflag:s8], $0x0  }
0x24: {  	s3 =	sadd.s32 $0x88, s3;
	s6 =	simm.s32 @!p1 $0x1082;
	[sflag:s4] =	ssyncset.s32 $0xFFFFF086  }
0x25: {  	[simem:s6], [sflag:s4] =	dma.local [hbm:s3], $0xF7A  }
0x26: {  	[smem:$0x3F9F] =	sst s1;
	(tag) =	ssettag s2;
	_ =	strace s9  }
0x27: {  	s1 =	sld [smem:$0x3FAF]  }
0x28: {  	s2 =	sld [smem:$0x3FB0]  }
0x29: {  	s4 =	sld [smem:$0x3FB2]  }
0x2a: {  	p0 =	seq.s32 s5, $0x0;
	s5 =	sld [smem:$0x3FB3]  }
0x2b: {  	s6 =	sld [smem:$0x3FB4]  }
0x2c: {  	s7 =	sld [smem:$0x3FB5]  }
0x2d: {  	s3 =	simm.s32 $0x108;
	s8 =	sld [smem:$0x3FB6]  }
0x2e: {  	s3 =	simm.s32 @!p0 $0x1082;
	s9 =	sld [smem:$0x3FB7]  }
0x2f: {  	lr =	sadd.s32 s0, s3;
	s0 =	sld [smem:$0x3FAE]  }
0x30: {  	s3 =	sld [smem:$0x3FB1]  }
0x31: {  	[smem:$0x3FBA] =	sst s10  }
0x32: {  	s10 =	sld [smem:$0x3FB8];
	_ =	sdelay $0x3  }
0x33: {  	p0 =	seq.s32 s10, $0x1;
	s10 =	sld [smem:$0x3FBA];
	_ =	sdelay $0x3  }
0x34: {  	[smem:$0x3FBA] =	sst s10  }
0x35: {  	s10 =	sld [smem:$0x3FB9];
	_ =	sdelay $0x3  }
0x36: {  	p1 =	seq.s32 s10, $0x1;
	s10 =	sld [smem:$0x3FBA];
	_ =	sdelay $0x3  }
0x37: {  	[smem:$0x3FBA] =	sst s10  }
0x38: {  	s10 =	sld [smem:$0x3FBB]  }
0x39: {  	_ = 	snop;
	(pc) =	sbr.ind lr, $3  }
0x3a: {  	_ = 	snop  }
0x3b: {  	_ = 	snop  }
0x3c: {  	p2 =	seq.s32 s10, $0x1;
	s10 =	sld [smem:$0x3FBA]  }
0x3d: {  	_ =	shalt  }
0x3e: {  	_ =	shalt  }
0x3f: {  	_ =	shalt  }
0x40: {  	_ =	shalt  }
0x41: {  	_ =	shalt  }
0x42: {  	_ =	shalt  }
0x43: {  	_ =	shalt  }
0x44: {  	_ =	shalt  }
0x45: {  	_ =	shalt  }
0x46: {  	_ =	shalt  }
0x47: {  	_ =	shalt  }
0x48: {  	_ =	shalt  }
0x49: {  	_ =	shalt  }
0x4a: {  	_ =	shalt  }
0x4b: {  	_ =	shalt  }
0x4c: {  	_ =	shalt  }
0x4d: {  	_ =	shalt  }
0x4e: {  	_ =	shalt  }
0x4f: {  	_ =	shalt  }
0x50: {  	_ =	shalt  }
0x51: {  	_ =	shalt  }
0x52: {  	_ =	shalt  }
0x53: {  	_ =	shalt  }
0x54: {  	_ =	shalt  }
0x55: {  	_ =	shalt  }
0x56: {  	_ =	shalt  }
0x57: {  	_ =	shalt  }
0x58: {  	_ =	shalt  }
0x59: {  	_ =	shalt  }
0x5a: {  	_ =	shalt  }
0x5b: {  	_ =	shalt  }
0x5c: {  	_ =	shalt  }
0x5d: {  	_ =	shalt  }
0x5e: {  	_ =	shalt  }
0x5f: {  	_ =	shalt  }
0x60: {  	_ =	shalt  }
0x61: {  	_ =	shalt  }
0x62: {  	_ =	shalt  }
0x63: {  	_ =	shalt  }
0x64: {  	_ =	shalt  }
0x65: {  	_ =	shalt  }
0x66: {  	_ =	shalt  }
0x67: {  	_ =	shalt  }
0x68: {  	_ =	shalt  }
0x69: {  	_ =	shalt  }
0x6a: {  	_ =	shalt  }
0x6b: {  	_ =	shalt  }
0x6c: {  	_ =	shalt  }
0x6d: {  	_ =	shalt  }
0x6e: {  	_ =	shalt  }
0x6f: {  	_ =	shalt  }
0x70: {  	_ =	shalt  }
0x71: {  	_ =	shalt  }
0x72: {  	_ =	shalt  }
0x73: {  	_ =	shalt  }
0x74: {  	_ =	shalt  }
0x75: {  	_ =	shalt  }
0x76: {  	_ =	shalt  }
0x77: {  	_ =	shalt  }
0x78: {  	_ =	shalt  }
0x79: {  	_ =	shalt  }
0x7a: {  	_ =	shalt  }
0x7b: {  	_ =	shalt  }
0x7c: {  	_ =	shalt  }
0x7d: {  	_ =	shalt  }
0x7e: {  	_ =	shalt  }
0x7f: {  	_ =	shalt  }
0x80: {  	_ =	shalt  }
0x81: {  	_ =	shalt  }
0x82: {  	_ =	shalt  }
0x83: {  	_ =	shalt  }
0x84: {  	_ =	shalt  }
0x85: {  	_ =	shalt  }
0x86: {  	_ =	shalt  }
0x87: {  	_ =	shalt  }
.Lfunc_end0:
.L_simem_size_0:
called_computation_lowered:
.L_overlay_start_0:
0x88: {  	s2 =	sld [smem:$0x3FD9]  }
0x89: {  	s3 =	sld [smem:$0x3FFE];
	_ =	sdelay $0x1  }
0x8a: {  	s1 =	srdreg.scid  }
0x8b: {  	s0 =	sand.u32 $0x1, s1  }
0x8c: {  	s18 =	sshll.u32 s0, $0xA;
	s2 =	sadd.s32 s3, s2  }
0x8d: {  	s2 =	sadd.s32 s2, s18  }
0x8e: {  	[smem:$0x3FC6] =	sst s2  }
0x8f: {  	_ = 	snop  }
0x90: {  	s2 =	sld [smem:$0x3FC9]  }
0x91: {  	s19 =	sld [smem:$0x3FC8]  }
0x92: {  	s4 =	sld [smem:$0x3FD0];
	(tm) =	ssettm $0x1  }
0x93: {  	s5 =	sld [smem:$0x3FFB];
	_ =	sdelay $0x3  }
0x94: {  	_ =	strace s5  }
0x95: {  	s5 =	sld [smem:$0x3FFC];
	_ =	sdelay $0x3  }
0x96: {  	_ =	strace s5  }
0x97: {  	s5 =	sld [smem:$0x3FFD];
	_ =	sdelay $0x3  }
0x98: {  	_ =	strace s5  }
0x99: {  	_ =	strace $0x8FFFFFFF  }
0x9a: {  	s20 =	sld [smem:$0x3FDB];
	_ =	sdelay $0x1  }
0x9b: {  	s6 =	simm.s32 $_scs_section_size  }
0x9c: {  	s7 =	simm.s32 $_size__tile_overlayer_lowered;
	s8 =	simm.s32 $_tile_overlayer_lowered  }
0x9d: {  	s23 =	simm.s32 $0x1BFF;
	s22 =	sshll.u32 s8, $0x1;
	s5 =	sadd.s32 s6, s20  }
0x9e: {  	s9 =	simm.s32 $0x0;
	s21 =	sshll.u32 s7, $0x1;
	s7 =	sadd.s32 s22, s5  }
0x9f: {  	[timem:s9], [sflag:s23] =	dma.local [hbm:s7], s21  }
0xa0: {  	_ =	swait.ge [sflag:s23], s21  }
0xa1: {  	s6 =	ssub.s32 $0x0, s21;
	[sflag:s23] =	ssyncset.done $0x0  }
0xa2: {  	[sflag:s23] =	ssyncadd.s32 s6;
	_ =	sdelay $0x1  }
0xa3: {  	s24 =	simm.s32 $0x1B8B  }
0xa4: {  	_ =	swait.ge [sflag:s24], $0x1  }
0xa5: {  	[sflag:s24] =	ssyncset.done $0x0  }
0xa6: {  	s25 =	simm.s32 $0x1B8E;
	[sflag:s24] =	ssyncadd.s32 $0xFFFFFFFF  }
0xa7: {  	s26 =	simm.s32 $execute0_lowered;
	[smem:$0x3FD2] =	sst s25  }
0xa8: {  	s6 =	sshll.u32 s26, $0x1;
	_ =	strace $0x80000046;
	[dreg:$0x1] =	wrdreg $0xFFFFFFFF  }
0xa9: {  	s28 =	simm.s32 $_size_execute0_lowered;
	s5 =	sadd.s32 s5, s6;
	[dreg:$0x0] =	wrdreg $0x0  }
0xaa: {  	s6 =	sshll.u32 s28, $0x1;
	[dreg:$0x2] =	wrdreg s5  }
0xab: {  	[dreg:$0x3] =	wrdreg s6  }
0xac: {  	[dreg:$0x4] =	wrdreg $0xC0  }
0xad: {  	_ =	task [dreg:s9], $0x5FFFF  }
0xae: {  	[dreg:$0x1] =	wrdreg $0xFFFFFFFF  }
0xaf: {  	[dreg:$0x0] =	wrdreg $0x60  }
0xb0: {  	[dreg:$0x2] =	wrdreg s2  }
0xb1: {  	[dreg:$0x3] =	wrdreg s19  }
0xb2: {  	[dreg:$0x4] =	wrdreg s4  }
0xb3: {  	[dreg:$0x5] =	wrdreg $0x9  }
0xb4: {  	_ =	task.clear_ibuf [dreg:s9], $0x6FFFF;
	_ =	strace $0x90000046  }
0xb5: {  	s29 =	simm.s32 $0x9;
	_ =	strace $0x80000048  }
0xb6: {  	_ =	swait.ge [sflag:s29], $0x1  }
0xb7: {  	[sflag:s29] =	ssyncadd.s32 $0xFFFFFFFF  }
0xb8: {  	_ =	strace $0x90000048  }
0xb9: {  	_ =	sfence  }
0xba: {  	s30 =	sld [smem:$0x0];
	_ =	sdelay $0x2  }
0xbb: {  	s31 =	sshll.u32 s1, $0xD;
	s1 =	sshrl.u32 s1, $0x2  }
0xbc: {  	s3 =	sand.u32 $0x4000, s31;
	s1 =	sadd.s32 s1, s30  }
0xbd: {  	s0 =	sor.u32 s3, s0;
	s1 =	sshll.u32 s1, $0x11  }
0xbe: {  	s0 =	sor.u32 s1, s0  }
0xbf: {  	s0 =	sadd.s32 $0x8F2B, s0  }
0xc0: {  	[sflag:s0] =	ssyncadd.remote.s32 $0x1  }
0xc1: {  	_ =	sfence.sel $0xFFFF  }
0xc2: {  	[dreg:$0x0] =	wrdreg $0xFFFFFFFF;
	(pc) =	sbr.abs _section_cstart, $3  }
0xc3: {  	[dreg:$0x1] =	wrdreg $0xFFFFFFFF  }
0xc4: {  	_ =	task.clear_ibuf [dreg:s9], $0x2FFFF;
	_ =	strace $0x9FFFFFFF  }
0xc5: {  	(tm) =	ssettm $0x7FFFFFFF  }
tec
execute0_lowered:
.L_overlay_start_1:
0x0: {  	(tag) =	ssettag $0x1  }
0x1: {  	s0 =	srdreg.scid;
	s6 =	stileid.u32  }
0x2: {  	s1 =	rddreg [dreg:$0x0];
	s0 =	sand.u32 $0x1, s0;
	s3 =	sshll.u32 s6, $0x1  }
0x3: {  	s2 =	rddreg [dreg:$0x1];
	s4 =	sor.u32 s0, s3  }
0x4: {  	s6 =	sshll.u32 s6, $0x2;
	s3 =	sshll.u32 s4, $0x7;
	s7 =	smul.u32 $0x6000, s4  }
0x5: {  	s5 =	rddreg [dreg:$0x2];
	s6 =	sor.u32 s6, s3;
	s3 =	simm.s32 $0x0  }
0x6: {  	[smem:$0x7FF] =	sst s3;
	s19 =	sadd.s32 s5, s7  }
0x7: {  	s26 =	simm.s32 $0x12B80;
	_ =	strace $0x80000047;
	[smem:$0x7FA] =	sst s19  }
0x8: {  	s17 =	smul.u32 $0x30000, s4;
	s4 =	simm.s32 $0x13380;
	[dreg:$0xc] =	wrdreg s26  }
0x9: {  	s8 =	simm.s32 $0x14B80;
	[dreg:$0xd] =	wrdreg s4  }
0xa: {  	s9 =	simm.s32 $0x15380;
	[dreg:$0x10] =	wrdreg s8  }
0xb: {  	s10 =	simm.s32 $0x15B80;
	[dreg:$0x11] =	wrdreg s9  }
0xc: {  	s11 =	simm.s32 $0x16380;
	[dreg:$0x12] =	wrdreg s10  }
0xd: {  	s12 =	simm.s32 $0x16B80;
	[dreg:$0x13] =	wrdreg s11  }
0xe: {  	s13 =	simm.s32 $0x17380;
	[dreg:$0x14] =	wrdreg s12  }
0xf: {  	s14 =	simm.s32 $0x17B80;
	s15 =	simm.s32 $0x80;
	[dreg:$0x15] =	wrdreg s13  }
0x10: {  	s16 =	simm.s32 $0x18B80;
	s28 =	simm.s32 $0x2;
	[dreg:$0x16] =	wrdreg s14  }
0x11: {  	s29 =	simm.s32 $0x7;
	s6 =	sand.u32 $0x3B0, s6;
	[dreg:$0x17] =	wrdreg s15  }
0x12: {  	s30 =	simm.s32 $0x3;
	s6 =	sadd.s32 s1, s6;
	[dreg:$0x18] =	wrdreg s16  }
0x13: {  	s31 =	simm.s32 $0x8;
	s20 =	sadd.s32 $0xC00, s19;
	[smem:$0x7F9] =	sst s6  }
0x14: {  	s0 =	ssub.s32 $0x2, s0;
	s21 =	sadd.s32 $0x1800, s19;
	[dreg:$0x5] =	wrdreg s20  }
0x15: {  	s1 =	sshrl.u32 s17, $0x3;
	s17 =	simm.s32 $0x19380;
	[dreg:$0x6] =	wrdreg s21  }
0x16: {  	s7 =	sshrl.u32 s0, $0x1;
	s19 =	simm.s32 $0x1A380;
	[dreg:$0x19] =	wrdreg s17  }
0x17: {  	s0 =	ssub.s32 s0, s7;
	s26 =	simm.s32 $0x1DB80;
	[dreg:$0x1b] =	wrdreg s19  }
0x18: {  	s7 =	sadd.s32 $0x200, s2;
	s18 =	sadd.s32 $0x40, s6;
	[smem:$0x7FD] =	sst s26  }
0x19: {  	s1 =	sadd.s32 s5, s1;
	s5 =	simm.s32 $0x13B80;
	[dreg:$0x4] =	wrdreg s18  }
0x1a: {  	s15 =	simm.s32 $0xB80;
	s6 =	simm.s32 $0x14380;
	[dreg:$0xe] =	wrdreg s5  }
0x1b: {  	s16 =	simm.s32 $0x1380;
	s20 =	simm.s32 $0x1AB80;
	[dreg:$0xf] =	wrdreg s6  }
0x1c: {  	s9 =	simm.s32 $0x5380;
	s21 =	simm.s32 $0x1B380;
	[dreg:$0x1c] =	wrdreg s20  }
0x1d: {  	s11 =	simm.s32 $0x7380;
	s22 =	sadd.s32 $0x2400, s1;
	[dreg:$0x1d] =	wrdreg s21  }
0x1e: {  	s10 =	simm.s32 $0x7B80;
	s23 =	sadd.s32 $0x3000, s1;
	[dreg:$0x7] =	wrdreg s22  }
0x1f: {  	s8 =	smax.u32 s0, $0x1;
	s24 =	sadd.s32 $0x3C00, s1;
	[dreg:$0x8] =	wrdreg s23  }
0x20: {  	s26 =	simm.s32 $0x6;
	s25 =	sadd.s32 $0x4800, s1;
	[dreg:$0x9] =	wrdreg s24  }
0x21: {  	s17 =	simm.s32 $0x1B80;
	s1 =	sadd.s32 $0x5400, s1;
	[dreg:$0xa] =	wrdreg s25  }
0x22: {  	s19 =	simm.s32 $0x2B80;
	s18 =	simm.s32 $0x19B80;
	[dreg:$0xb] =	wrdreg s1  }
0x23: {  	s6 =	sadd.s32 $0x100, s2;
	[dreg:$0x1a] =	wrdreg s18;
	s22 =	simm.s32 $0x1BB80  }
0x24: {  	s20 =	simm.s32 $0x3380;
	s23 =	simm.s32 $0x1C380;
	[dreg:$0x1e] =	wrdreg s22  }
0x25: {  	s21 =	simm.s32 $0x3B80;
	s24 =	simm.s32 $0x1CB80;
	[dreg:$0x1f] =	wrdreg s23  }
0x26: {  	v2 =	vlaneseq.u32;
	s5 =	simm.s32 $0x6380;
	s25 =	simm.s32 $0x1D380;
	[smem:$0x7FB] =	sst s24  }
0x27: {  	vm0 =	vmmov $0xffff;
	v1 =	vshrl.u32 v2, $0x3;
	s18 =	simm.s32 $0x2380;
	[smem:$0x7FC] =	sst s25;
	s25 =	simm.s32 $0x1  }
0x28: {  	v0 =	vand.u32 $0x7, v2;
	v2 =	vor.u32 $0x8, v2;
	v1 =	vmul.u32 $0x8, v1;
	s22 =	simm.s32 $0x380;
	s23 =	simm.s32 $0x4380;
	s24 =	simm.s32 $0x4B80  }
.LBB2_1:
0x29: {  	s12 =	sld [smem:$0x7F9];
	_ =	sdelay $0x1  }
0x2a: {  	s0 =	simm.s32 $0xB  }
0x2b: {  	[tilespmem:s3], [sflag:$0xB] =	stream.linear.gather [hbm4b:s12+s3], $0x80, $0x38;
	[tilespmem:$0x1E380] =	vst v63  }
0x2c: {  	_ =	swait.ge [sflag:s0], $0x80  }
0x2d: {  	[sflag:s0] =	ssyncset.done $0x0  }
0x2e: {  	[sflag:s0] =	ssyncadd.s32 $0xFFFFFF80  }
0x2f: {  	v3 =	vld [tilespmem:$0x0];
	_ =	sdelay $0x4  }
0x30: {  	v4 =	vshrl.u32 v3, $0x3  }
0x31: {  	v4 =	vmul.u32 $0x30, v4  }
0x32: {  	v5 =	vand.u32 $0x7, v3  }
0x33: {  	v4 =	vor.u32 v5, v4  }
0x34: {  	v5 =	vperm.xlane v4, v0  }
0x35: {  	v6 =	vld [tilespmem:$0x10]  }
0x36: {  	v5 =	vadd.s32 v1, v5;
	_ =	sdelay $0x2  }
0x37: {  	[tilespmem:$0x100] =	vst v3  }
0x38: {  	[tilespmem:$0x110] =	vst v6;
	v3 =	vperm.xlane v4, v2  }
0x39: {  	[tilespmem:s22], [sflag:$0x1] =	stream.indirect_vreg.gather [hbm4b:s2+s3], $0x80, v5, vm0, $0xb8;
	[tilespmem:$0x1E380] =	vst v63  }
0x3a: {  	v3 =	vadd.s32 v1, v3  }
0x3b: {  	[tilespmem:s15], [sflag:$0x1] =	stream.indirect_vreg.gather [hbm4b:s6+s3], $0x80, v5, vm0, $0xb8;
	[tilespmem:$0x1E380] =	vst v63  }
0x3c: {  	_ = 	snop  }
0x3d: {  	[tilespmem:s16], [sflag:$0x1] =	stream.indirect_vreg.gather [hbm4b:s7+s3], $0x80, v5, vm0, $0xb8;
	[tilespmem:$0x1E380] =	vst v63  }
0x3e: {  	_ = 	snop  }
0x3f: {  	[tilespmem:s17], [sflag:$0x1] =	stream.indirect_vreg.gather [hbm4b:s2+s3], $0x80, v3, vm0, $0xb8;
	[tilespmem:$0x1E380] =	vst v63  }
0x40: {  	_ = 	snop  }
0x41: {  	[tilespmem:s18], [sflag:$0x1] =	stream.indirect_vreg.gather [hbm4b:s6+s3], $0x80, v3, vm0, $0xb8;
	[tilespmem:$0x1E380] =	vst v63  }
0x42: {  	_ = 	snop  }
0x43: {  	[tilespmem:s19], [sflag:$0x1] =	stream.indirect_vreg.gather [hbm4b:s7+s3], $0x80, v3, vm0, $0xb8;
	[tilespmem:$0x1E380] =	vst v63  }
0x44: {  	v3 =	vld [tilespmem:$0x110];
	_ =	sdelay $0x4  }
0x45: {  	v35 =	vshrl.u32 v3, $0x3  }
0x46: {  	v4 =	vmul.u32 $0x30, v35  }
0x47: {  	v3 =	vand.u32 $0x7, v3  }
0x48: {  	v3 =	vor.u32 v3, v4  }
0x49: {  	v4 =	vperm.xlane v3, v0;
	_ =	sdelay $0x1  }
0x4a: {  	v4 =	vadd.s32 v1, v4;
	_ =	sdelay $0x3  }
0x4b: {  	v3 =	vperm.xlane v3, v2  }
0x4c: {  	[tilespmem:s20], [sflag:$0x1] =	stream.indirect_vreg.gather [hbm4b:s2+s3], $0x80, v4, vm0, $0xb8;
	[tilespmem:$0x1E380] =	vst v63  }
0x4d: {  	v3 =	vadd.s32 v1, v3  }
0x4e: {  	[tilespmem:s21], [sflag:$0x1] =	stream.indirect_vreg.gather [hbm4b:s6+s3], $0x80, v4, vm0, $0xb8;
	[tilespmem:$0x1E380] =	vst v63  }
0x4f: {  	_ = 	snop  }
0x50: {  	[tilespmem:s23], [sflag:$0x1] =	stream.indirect_vreg.gather [hbm4b:s7+s3], $0x80, v4, vm0, $0xb8;
	[tilespmem:$0x1E380] =	vst v63  }
0x51: {  	_ = 	snop  }
0x52: {  	[tilespmem:s24], [sflag:$0x1] =	stream.indirect_vreg.gather [hbm4b:s2+s3], $0x80, v3, vm0, $0xb8;
	[tilespmem:$0x1E380] =	vst v63  }
0x53: {  	_ = 	snop  }
0x54: {  	[tilespmem:s9], [sflag:$0x1] =	stream.indirect_vreg.gather [hbm4b:s6+s3], $0x80, v3, vm0, $0xb8;
	[tilespmem:$0x1E380] =	vst v63  }
0x55: {  	s4 =	simm.s32 $0x5B80  }
0x56: {  	[tilespmem:s4], [sflag:$0x1] =	stream.indirect_vreg.gather [hbm4b:s7+s3], $0x80, v3, vm0, $0xb8;
	[tilespmem:$0x1E380] =	vst v63  }
0x57: {  	v3 =	vld [tilespmem:$0x20];
	_ =	sdelay $0x4  }
0x58: {  	v36 =	vshrl.u32 v3, $0x3  }
0x59: {  	v4 =	vmul.u32 $0x30, v36  }
0x5a: {  	v37 =	vand.u32 $0x7, v3  }
0x5b: {  	v4 =	vor.u32 v37, v4  }
0x5c: {  	v5 =	vperm.xlane v4, v0  }
0x5d: {  	v38 =	vld [tilespmem:$0x30]  }
0x5e: {  	v5 =	vadd.s32 v1, v5;
	_ =	sdelay $0x2  }
0x5f: {  	[tilespmem:$0x180] =	vst v3  }
0x60: {  	[tilespmem:$0x190] =	vst v38;
	v3 =	vperm.xlane v4, v2  }
0x61: {  	[tilespmem:s5], [sflag:$0x2] =	stream.indirect_vreg.gather [hbm4b:s2+s3], $0x80, v5, vm0, $0xb8;
	[tilespmem:$0x1E380] =	vst v63  }
0x62: {  	s1 =	simm.s32 $0x6B80;
	v3 =	vadd.s32 v1, v3  }
0x63: {  	[tilespmem:s1], [sflag:$0x2] =	stream.indirect_vreg.gather [hbm4b:s6+s3], $0x80, v5, vm0, $0xb8;
	[tilespmem:$0x1E380] =	vst v63  }
0x64: {  	_ = 	snop  }
0x65: {  	[tilespmem:s11], [sflag:$0x2] =	stream.indirect_vreg.gather [hbm4b:s7+s3], $0x80, v5, vm0, $0xb8;
	[tilespmem:$0x1E380] =	vst v63  }
0x66: {  	_ = 	snop  }
0x67: {  	[tilespmem:s10], [sflag:$0x2] =	stream.indirect_vreg.gather [hbm4b:s2+s3], $0x80, v3, vm0, $0xb8;
	[tilespmem:$0x1E380] =	vst v63  }
0x68: {  	s14 =	simm.s32 $0x8380  }
0x69: {  	[tilespmem:s14], [sflag:$0x2] =	stream.indirect_vreg.gather [hbm4b:s6+s3], $0x80, v3, vm0, $0xb8;
	[tilespmem:$0x1E380] =	vst v63  }
0x6a: {  	s12 =	simm.s32 $0x8B80  }
0x6b: {  	[tilespmem:s12], [sflag:$0x2] =	stream.indirect_vreg.gather [hbm4b:s7+s3], $0x80, v3, vm0, $0xb8;
	[tilespmem:$0x1E380] =	vst v63  }
0x6c: {  	v3 =	vld [tilespmem:$0x190];
	_ =	sdelay $0x4  }
0x6d: {  	v39 =	vshrl.u32 v3, $0x3  }
0x6e: {  	v4 =	vmul.u32 $0x30, v39  }
0x6f: {  	v3 =	vand.u32 $0x7, v3  }
0x70: {  	v3 =	vor.u32 v3, v4  }
0x71: {  	v4 =	vperm.xlane v3, v0;
	_ =	sdelay $0x1  }
0x72: {  	v4 =	vadd.s32 v1, v4;
	_ =	sdelay $0x3  }
0x73: {  	s13 =	simm.s32 $0x9380;
	v3 =	vperm.xlane v3, v2  }
0x74: {  	[tilespmem:s13], [sflag:$0x2] =	stream.indirect_vreg.gather [hbm4b:s2+s3], $0x80, v4, vm0, $0xb8;
	[tilespmem:$0x1E380] =	vst v63  }
0x75: {  	s14 =	simm.s32 $0x9B80;
	v3 =	vadd.s32 v1, v3  }
0x76: {  	[tilespmem:s14], [sflag:$0x2] =	stream.indirect_vreg.gather [hbm4b:s6+s3], $0x80, v4, vm0, $0xb8;
	[tilespmem:$0x1E380] =	vst v63  }
0x77: {  	s12 =	simm.s32 $0xA380  }
0x78: {  	[tilespmem:s12], [sflag:$0x2] =	stream.indirect_vreg.gather [hbm4b:s7+s3], $0x80, v4, vm0, $0xb8;
	[tilespmem:$0x1E380] =	vst v63  }
0x79: {  	s13 =	simm.s32 $0xAB80  }
0x7a: {  	[tilespmem:s13], [sflag:$0x2] =	stream.indirect_vreg.gather [hbm4b:s2+s3], $0x80, v3, vm0, $0xb8;
	[tilespmem:$0x1E380] =	vst v63  }
0x7b: {  	s14 =	simm.s32 $0xB380  }
0x7c: {  	[tilespmem:s14], [sflag:$0x2] =	stream.indirect_vreg.gather [hbm4b:s6+s3], $0x80, v3, vm0, $0xb8;
	[tilespmem:$0x1E380] =	vst v63  }
0x7d: {  	s12 =	simm.s32 $0xBB80  }
0x7e: {  	[tilespmem:s12], [sflag:$0x2] =	stream.indirect_vreg.gather [hbm4b:s7+s3], $0x80, v3, vm0, $0xb8;
	[tilespmem:$0x1E380] =	vst v63  }
0x7f: {  	v3 =	vld [tilespmem:$0x40];
	_ =	sdelay $0x4  }
0x80: {  	v40 =	vshrl.u32 v3, $0x3  }
0x81: {  	v4 =	vmul.u32 $0x30, v40  }
0x82: {  	v41 =	vand.u32 $0x7, v3  }
0x83: {  	v4 =	vor.u32 v41, v4  }
0x84: {  	v5 =	vperm.xlane v4, v0  }
0x85: {  	v42 =	vld [tilespmem:$0x50]  }
0x86: {  	v5 =	vadd.s32 v1, v5;
	_ =	sdelay $0x2  }
0x87: {  	[tilespmem:$0x200] =	vst v3  }
0x88: {  	s1 =	simm.s32 $0xC380;
	[tilespmem:$0x210] =	vst v42;
	v3 =	vperm.xlane v4, v2  }
0x89: {  	[tilespmem:s1], [sflag:$0x3] =	stream.indirect_vreg.gather [hbm4b:s2+s3], $0x80, v5, vm0, $0xb8;
	[tilespmem:$0x1E380] =	vst v63  }
0x8a: {  	s13 =	simm.s32 $0xCB80;
	v3 =	vadd.s32 v1, v3  }
0x8b: {  	[tilespmem:s13], [sflag:$0x3] =	stream.indirect_vreg.gather [hbm4b:s6+s3], $0x80, v5, vm0, $0xb8;
	[tilespmem:$0x1E380] =	vst v63  }
0x8c: {  	s14 =	simm.s32 $0xD380  }
0x8d: {  	[tilespmem:s14], [sflag:$0x3] =	stream.indirect_vreg.gather [hbm4b:s7+s3], $0x80, v5, vm0, $0xb8;
	[tilespmem:$0x1E380] =	vst v63  }
0x8e: {  	s13 =	simm.s32 $0xDB80  }
0x8f: {  	[tilespmem:s13], [sflag:$0x3] =	stream.indirect_vreg.gather [hbm4b:s2+s3], $0x80, v3, vm0, $0xb8;
	[tilespmem:$0x1E380] =	vst v63  }
0x90: {  	s14 =	simm.s32 $0xE380  }
0x91: {  	[tilespmem:s14], [sflag:$0x3] =	stream.indirect_vreg.gather [hbm4b:s6+s3], $0x80, v3, vm0, $0xb8;
	[tilespmem:$0x1E380] =	vst v63  }
0x92: {  	s13 =	simm.s32 $0xEB80  }
0x93: {  	[tilespmem:s13], [sflag:$0x3] =	stream.indirect_vreg.gather [hbm4b:s7+s3], $0x80, v3, vm0, $0xb8;
	[tilespmem:$0x1E380] =	vst v63  }
0x94: {  	v3 =	vld [tilespmem:$0x210];
	_ =	sdelay $0x4  }
0x95: {  	v43 =	vshrl.u32 v3, $0x3  }
0x96: {  	v4 =	vmul.u32 $0x30, v43  }
0x97: {  	v3 =	vand.u32 $0x7, v3  }
0x98: {  	v3 =	vor.u32 v3, v4  }
0x99: {  	v4 =	vperm.xlane v3, v0;
	_ =	sdelay $0x1  }
0x9a: {  	v4 =	vadd.s32 v1, v4;
	_ =	sdelay $0x3  }
0x9b: {  	s14 =	simm.s32 $0xF380;
	v3 =	vperm.xlane v3, v2  }
0x9c: {  	[tilespmem:s14], [sflag:$0x3] =	stream.indirect_vreg.gather [hbm4b:s2+s3], $0x80, v4, vm0, $0xb8;
	[tilespmem:$0x1E380] =	vst v63  }
0x9d: {  	s13 =	simm.s32 $0xFB80;
	v3 =	vadd.s32 v1, v3  }
0x9e: {  	[tilespmem:s13], [sflag:$0x3] =	stream.indirect_vreg.gather [hbm4b:s6+s3], $0x80, v4, vm0, $0xb8;
	[tilespmem:$0x1E380] =	vst v63  }
0x9f: {  	s14 =	simm.s32 $0x10380  }
0xa0: {  	[tilespmem:s14], [sflag:$0x3] =	stream.indirect_vreg.gather [hbm4b:s7+s3], $0x80, v4, vm0, $0xb8;
	[tilespmem:$0x1E380] =	vst v63  }
0xa1: {  	s13 =	simm.s32 $0x10B80  }
0xa2: {  	[tilespmem:s13], [sflag:$0x3] =	stream.indirect_vreg.gather [hbm4b:s2+s3], $0x80, v3, vm0, $0xb8;
	[tilespmem:$0x1E380] =	vst v63  }
0xa3: {  	s14 =	simm.s32 $0x11380  }
0xa4: {  	[tilespmem:s14], [sflag:$0x3] =	stream.indirect_vreg.gather [hbm4b:s6+s3], $0x80, v3, vm0, $0xb8;
	[tilespmem:$0x1E380] =	vst v63  }
0xa5: {  	s13 =	simm.s32 $0x11B80  }
0xa6: {  	[tilespmem:s13], [sflag:$0x3] =	stream.indirect_vreg.gather [hbm4b:s7+s3], $0x80, v3, vm0, $0xb8;
	[tilespmem:$0x1E380] =	vst v63  }
0xa7: {  	v3 =	vld [tilespmem:$0x60];
	_ =	sdelay $0x4  }
0xa8: {  	v44 =	vshrl.u32 v3, $0x3  }
0xa9: {  	v4 =	vmul.u32 $0x30, v44  }
0xaa: {  	v45 =	vand.u32 $0x7, v3  }
0xab: {  	v4 =	vor.u32 v45, v4  }
0xac: {  	v5 =	vperm.xlane v4, v0  }
0xad: {  	v46 =	vld [tilespmem:$0x70]  }
0xae: {  	v5 =	vadd.s32 v1, v5;
	_ =	sdelay $0x2  }
0xaf: {  	[tilespmem:$0x280] =	vst v3  }
0xb0: {  	s13 =	simm.s32 $0x12380;
	[tilespmem:$0x290] =	vst v46;
	v3 =	vperm.xlane v4, v2  }
0xb1: {  	[tilespmem:s13], [sflag:$0x4] =	stream.indirect_vreg.gather [hbm4b:s2+s3], $0x80, v5, vm0, $0xb8;
	[tilespmem:$0x1E380] =	vst v63  }
0xb2: {  	s14 =	rddreg [dreg:$0xc];
	v3 =	vadd.s32 v1, v3  }
0xb3: {  	[tilespmem:s14], [sflag:$0x4] =	stream.indirect_vreg.gather [hbm4b:s6+s3], $0x80, v5, vm0, $0xb8;
	[tilespmem:$0x1E380] =	vst v63  }
0xb4: {  	s13 =	rddreg [dreg:$0xd]  }
0xb5: {  	[tilespmem:s13], [sflag:$0x4] =	stream.indirect_vreg.gather [hbm4b:s7+s3], $0x80, v5, vm0, $0xb8;
	[tilespmem:$0x1E380] =	vst v63  }
0xb6: {  	s14 =	rddreg [dreg:$0xe]  }
0xb7: {  	[tilespmem:s14], [sflag:$0x4] =	stream.indirect_vreg.gather [hbm4b:s2+s3], $0x80, v3, vm0, $0xb8;
	[tilespmem:$0x1E380] =	vst v63  }
0xb8: {  	s13 =	rddreg [dreg:$0xf]  }
0xb9: {  	[tilespmem:s13], [sflag:$0x4] =	stream.indirect_vreg.gather [hbm4b:s6+s3], $0x80, v3, vm0, $0xb8;
	[tilespmem:$0x1E380] =	vst v63  }
0xba: {  	s14 =	rddreg [dreg:$0x10]  }
0xbb: {  	[tilespmem:s14], [sflag:$0x4] =	stream.indirect_vreg.gather [hbm4b:s7+s3], $0x80, v3, vm0, $0xb8;
	[tilespmem:$0x1E380] =	vst v63  }
0xbc: {  	v3 =	vld [tilespmem:$0x290];
	_ =	sdelay $0x4  }
0xbd: {  	v47 =	vshrl.u32 v3, $0x3  }
0xbe: {  	v4 =	vmul.u32 $0x30, v47  }
0xbf: {  	v3 =	vand.u32 $0x7, v3  }
0xc0: {  	v3 =	vor.u32 v3, v4  }
0xc1: {  	v4 =	vperm.xlane v3, v0;
	_ =	sdelay $0x1  }
0xc2: {  	v4 =	vadd.s32 v1, v4;
	_ =	sdelay $0x2  }
0xc3: {  	s12 =	rddreg [dreg:$0x16]  }
0xc4: {  	s14 =	rddreg [dreg:$0x11];
	v3 =	vperm.xlane v3, v2  }
0xc5: {  	[tilespmem:s14], [sflag:$0x4] =	stream.indirect_vreg.gather [hbm4b:s2+s3], $0x80, v4, vm0, $0xb8;
	[tilespmem:$0x1E380] =	vst v63  }
0xc6: {  	s13 =	rddreg [dreg:$0x12];
	v3 =	vadd.s32 v1, v3  }
0xc7: {  	[tilespmem:s13], [sflag:$0x4] =	stream.indirect_vreg.gather [hbm4b:s6+s3], $0x80, v4, vm0, $0xb8;
	[tilespmem:$0x1E380] =	vst v63  }
0xc8: {  	s14 =	rddreg [dreg:$0x13]  }
0xc9: {  	[tilespmem:s14], [sflag:$0x4] =	stream.indirect_vreg.gather [hbm4b:s7+s3], $0x80, v4, vm0, $0xb8;
	[tilespmem:$0x1E380] =	vst v63  }
0xca: {  	s13 =	rddreg [dreg:$0x14]  }
0xcb: {  	[tilespmem:s13], [sflag:$0x4] =	stream.indirect_vreg.gather [hbm4b:s2+s3], $0x80, v3, vm0, $0xb8;
	[tilespmem:$0x1E380] =	vst v63  }
0xcc: {  	s14 =	rddreg [dreg:$0x15]  }
0xcd: {  	[tilespmem:s14], [sflag:$0x4] =	stream.indirect_vreg.gather [hbm4b:s6+s3], $0x80, v3, vm0, $0xb8;
	[tilespmem:$0x1E380] =	vst v63  }
0xce: {  	s13 =	rddreg [dreg:$0x4]  }
0xcf: {  	[tilespmem:s12], [sflag:$0x4] =	stream.indirect_vreg.gather [hbm4b:s7+s3], $0x80, v3, vm0, $0xb8;
	[tilespmem:$0x1E380] =	vst v63  }
0xd0: {  	s14 =	rddreg [dreg:$0x17]  }
0xd1: {  	[tilespmem:s14], [sflag:$0xB] =	stream.linear.gather [hbm4b:s13+s3], $0x80, $0x38;
	[tilespmem:$0x1E380] =	vst v63  }
0xd2: {  	_ =	swait.ge [sflag:s0], $0x80  }
0xd3: {  	[sflag:s0] =	ssyncset.done $0x0  }
0xd4: {  	[sflag:s0] =	ssyncadd.s32 $0xFFFFFF80  }
0xd5: {  	v3 =	vld [tilespmem:$0x80];
	_ =	sdelay $0x4  }
0xd6: {  	v48 =	vshrl.u32 v3, $0x3  }
0xd7: {  	v4 =	vmul.u32 $0x30, v48  }
0xd8: {  	v49 =	vand.u32 $0x7, v3  }
0xd9: {  	v4 =	vor.u32 v49, v4  }
0xda: {  	v5 =	vperm.xlane v4, v0  }
0xdb: {  	v50 =	vld [tilespmem:$0x90]  }
0xdc: {  	v5 =	vadd.s32 v1, v5;
	_ =	sdelay $0x2  }
0xdd: {  	[tilespmem:$0x300] =	vst v3  }
0xde: {  	s0 =	simm.s32 $0x18380;
	[tilespmem:$0x310] =	vst v50;
	v3 =	vperm.xlane v4, v2  }
0xdf: {  	[tilespmem:s0], [sflag:$0x5] =	stream.indirect_vreg.gather [hbm4b:s2+s3], $0x80, v5, vm0, $0xb8;
	[tilespmem:$0x1E380] =	vst v63  }
0xe0: {  	s14 =	rddreg [dreg:$0x18];
	v3 =	vadd.s32 v1, v3  }
0xe1: {  	[tilespmem:s14], [sflag:$0x5] =	stream.indirect_vreg.gather [hbm4b:s6+s3], $0x80, v5, vm0, $0xb8;
	[tilespmem:$0x1E380] =	vst v63  }
0xe2: {  	s13 =	rddreg [dreg:$0x19]  }
0xe3: {  	[tilespmem:s13], [sflag:$0x5] =	stream.indirect_vreg.gather [hbm4b:s7+s3], $0x80, v5, vm0, $0xb8;
	[tilespmem:$0x1E380] =	vst v63  }
0xe4: {  	s14 =	rddreg [dreg:$0x1a]  }
0xe5: {  	[tilespmem:s14], [sflag:$0x5] =	stream.indirect_vreg.gather [hbm4b:s2+s3], $0x80, v3, vm0, $0xb8;
	[tilespmem:$0x1E380] =	vst v63  }
0xe6: {  	s13 =	rddreg [dreg:$0x1b]  }
0xe7: {  	[tilespmem:s13], [sflag:$0x5] =	stream.indirect_vreg.gather [hbm4b:s6+s3], $0x80, v3, vm0, $0xb8;
	[tilespmem:$0x1E380] =	vst v63  }
0xe8: {  	s14 =	rddreg [dreg:$0x1c]  }
0xe9: {  	[tilespmem:s14], [sflag:$0x5] =	stream.indirect_vreg.gather [hbm4b:s7+s3], $0x80, v3, vm0, $0xb8;
	[tilespmem:$0x1E380] =	vst v63  }
0xea: {  	v3 =	vld [tilespmem:$0x310];
	_ =	sdelay $0x4  }
0xeb: {  	v51 =	vshrl.u32 v3, $0x3  }
0xec: {  	v4 =	vmul.u32 $0x30, v51  }
0xed: {  	v3 =	vand.u32 $0x7, v3  }
0xee: {  	v3 =	vor.u32 v3, v4  }
0xef: {  	v4 =	vperm.xlane v3, v0;
	_ =	sdelay $0x1  }
0xf0: {  	v4 =	vadd.s32 v1, v4;
	_ =	sdelay $0x2  }
0xf1: {  	s12 =	rddreg [dreg:$0x1f]  }
0xf2: {  	s13 =	rddreg [dreg:$0x1d];
	v3 =	vperm.xlane v3, v2  }
0xf3: {  	[tilespmem:s13], [sflag:$0x5] =	stream.indirect_vreg.gather [hbm4b:s2+s3], $0x80, v4, vm0, $0xb8;
	[tilespmem:$0x1E380] =	vst v63  }
0xf4: {  	s14 =	rddreg [dreg:$0x1e];
	v3 =	vadd.s32 v1, v3  }
0xf5: {  	[tilespmem:s14], [sflag:$0x5] =	stream.indirect_vreg.gather [hbm4b:s6+s3], $0x80, v4, vm0, $0xb8;
	[tilespmem:$0x1E380] =	vst v63  }
0xf6: {  	s14 =	sld [smem:$0x7FB]  }
0xf7: {  	[tilespmem:s12], [sflag:$0x5] =	stream.indirect_vreg.gather [hbm4b:s7+s3], $0x80, v4, vm0, $0xb8;
	[tilespmem:$0x1E380] =	vst v63  }
0xf8: {  	s12 =	sld [smem:$0x7FC]  }
0xf9: {  	[tilespmem:s14], [sflag:$0x5] =	stream.indirect_vreg.gather [hbm4b:s2+s3], $0x80, v3, vm0, $0xb8;
	[tilespmem:$0x1E380] =	vst v63  }
0xfa: {  	s14 =	sld [smem:$0x7FD]  }
0xfb: {  	[tilespmem:s12], [sflag:$0x5] =	stream.indirect_vreg.gather [hbm4b:s6+s3], $0x80, v3, vm0, $0xb8;
	[tilespmem:$0x1E380] =	vst v63  }
0xfc: {  	_ = 	snop  }
0xfd: {  	[tilespmem:s14], [sflag:$0x5] =	stream.indirect_vreg.gather [hbm4b:s7+s3], $0x80, v3, vm0, $0xb8;
	[tilespmem:$0x1E380] =	vst v63  }
0xfe: {  	_ =	swait.ge [sflag:s25], $0x6000  }
0xff: {  	s14 =	sld [smem:$0x7FA]  }
0x100: {  	[sflag:s25] =	ssyncset.done $0x0  }
0x101: {  	[sflag:s25] =	ssyncadd.s32 $0xFFFFA000  }
0x102: {  	[hbm4b:s14+s3] =	stream.linear.scatter [tilespmem:s22], [sflag:$0x6], $0x6000, $0x38;
	[tilespmem:$0x1E380] =	vst v63  }
0x103: {  	_ =	swait.ge [sflag:s26], $0x6000  }
0x104: {  	[sflag:s26] =	ssyncset.done $0x0  }
0x105: {  	[sflag:s26] =	ssyncadd.s32 $0xFFFFA000  }
0x106: {  	v3 =	vld [tilespmem:$0xA0];
	_ =	sdelay $0x4  }
0x107: {  	v52 =	vshrl.u32 v3, $0x3  }
0x108: {  	v4 =	vmul.u32 $0x30, v52  }
0x109: {  	v53 =	vand.u32 $0x7, v3  }
0x10a: {  	v4 =	vor.u32 v53, v4  }
0x10b: {  	v5 =	vperm.xlane v4, v0  }
0x10c: {  	v54 =	vld [tilespmem:$0xB0]  }
0x10d: {  	v5 =	vadd.s32 v1, v5;
	_ =	sdelay $0x2  }
0x10e: {  	[tilespmem:$0x100] =	vst v3  }
0x10f: {  	[tilespmem:$0x110] =	vst v54;
	v3 =	vperm.xlane v4, v2  }
0x110: {  	[tilespmem:s22], [sflag:$0x1] =	stream.indirect_vreg.gather [hbm4b:s2+s3], $0x80, v5, vm0, $0xb8;
	[tilespmem:$0x1E380] =	vst v63  }
0x111: {  	v3 =	vadd.s32 v1, v3  }
0x112: {  	[tilespmem:s15], [sflag:$0x1] =	stream.indirect_vreg.gather [hbm4b:s6+s3], $0x80, v5, vm0, $0xb8;
	[tilespmem:$0x1E380] =	vst v63  }
0x113: {  	_ = 	snop  }
0x114: {  	[tilespmem:s16], [sflag:$0x1] =	stream.indirect_vreg.gather [hbm4b:s7+s3], $0x80, v5, vm0, $0xb8;
	[tilespmem:$0x1E380] =	vst v63  }
0x115: {  	_ = 	snop  }
0x116: {  	[tilespmem:s17], [sflag:$0x1] =	stream.indirect_vreg.gather [hbm4b:s2+s3], $0x80, v3, vm0, $0xb8;
	[tilespmem:$0x1E380] =	vst v63  }
0x117: {  	_ = 	snop  }
0x118: {  	[tilespmem:s18], [sflag:$0x1] =	stream.indirect_vreg.gather [hbm4b:s6+s3], $0x80, v3, vm0, $0xb8;
	[tilespmem:$0x1E380] =	vst v63  }
0x119: {  	_ = 	snop  }
0x11a: {  	[tilespmem:s19], [sflag:$0x1] =	stream.indirect_vreg.gather [hbm4b:s7+s3], $0x80, v3, vm0, $0xb8;
	[tilespmem:$0x1E380] =	vst v63  }
0x11b: {  	v3 =	vld [tilespmem:$0x110];
	_ =	sdelay $0x4  }
0x11c: {  	v55 =	vshrl.u32 v3, $0x3  }
0x11d: {  	v4 =	vmul.u32 $0x30, v55  }
0x11e: {  	v3 =	vand.u32 $0x7, v3  }
0x11f: {  	v3 =	vor.u32 v3, v4  }
0x120: {  	v4 =	vperm.xlane v3, v0;
	_ =	sdelay $0x1  }
0x121: {  	v4 =	vadd.s32 v1, v4;
	_ =	sdelay $0x3  }
0x122: {  	v3 =	vperm.xlane v3, v2  }
0x123: {  	[tilespmem:s20], [sflag:$0x1] =	stream.indirect_vreg.gather [hbm4b:s2+s3], $0x80, v4, vm0, $0xb8;
	[tilespmem:$0x1E380] =	vst v63  }
0x124: {  	v3 =	vadd.s32 v1, v3  }
0x125: {  	[tilespmem:s21], [sflag:$0x1] =	stream.indirect_vreg.gather [hbm4b:s6+s3], $0x80, v4, vm0, $0xb8;
	[tilespmem:$0x1E380] =	vst v63  }
0x126: {  	_ = 	snop  }
0x127: {  	[tilespmem:s23], [sflag:$0x1] =	stream.indirect_vreg.gather [hbm4b:s7+s3], $0x80, v4, vm0, $0xb8;
	[tilespmem:$0x1E380] =	vst v63  }
0x128: {  	_ = 	snop  }
0x129: {  	[tilespmem:s24], [sflag:$0x1] =	stream.indirect_vreg.gather [hbm4b:s2+s3], $0x80, v3, vm0, $0xb8;
	[tilespmem:$0x1E380] =	vst v63  }
0x12a: {  	_ = 	snop  }
0x12b: {  	[tilespmem:s9], [sflag:$0x1] =	stream.indirect_vreg.gather [hbm4b:s6+s3], $0x80, v3, vm0, $0xb8;
	[tilespmem:$0x1E380] =	vst v63  }
0x12c: {  	_ = 	snop  }
0x12d: {  	[tilespmem:s4], [sflag:$0x1] =	stream.indirect_vreg.gather [hbm4b:s7+s3], $0x80, v3, vm0, $0xb8;
	[tilespmem:$0x1E380] =	vst v63  }
0x12e: {  	_ =	swait.ge [sflag:s28], $0x6000  }
0x12f: {  	[sflag:s28] =	ssyncset.done $0x0  }
0x130: {  	s4 =	rddreg [dreg:$0x5];
	[sflag:s28] =	ssyncadd.s32 $0xFFFFA000  }
0x131: {  	[hbm4b:s4+s3] =	stream.linear.scatter [tilespmem:s5], [sflag:$0x7], $0x6000, $0x38;
	[tilespmem:$0x1E380] =	vst v63  }
0x132: {  	_ =	swait.ge [sflag:s29], $0x6000  }
0x133: {  	[sflag:s29] =	ssyncset.done $0x0  }
0x134: {  	[sflag:s29] =	ssyncadd.s32 $0xFFFFA000  }
0x135: {  	v3 =	vld [tilespmem:$0xC0];
	_ =	sdelay $0x4  }
0x136: {  	v56 =	vshrl.u32 v3, $0x3  }
0x137: {  	v4 =	vmul.u32 $0x30, v56  }
0x138: {  	v57 =	vand.u32 $0x7, v3  }
0x139: {  	v4 =	vor.u32 v57, v4  }
0x13a: {  	v5 =	vperm.xlane v4, v0  }
0x13b: {  	v58 =	vld [tilespmem:$0xD0]  }
0x13c: {  	v5 =	vadd.s32 v1, v5;
	_ =	sdelay $0x2  }
0x13d: {  	[tilespmem:$0x180] =	vst v3  }
0x13e: {  	[tilespmem:$0x190] =	vst v58;
	v3 =	vperm.xlane v4, v2  }
0x13f: {  	[tilespmem:s5], [sflag:$0x2] =	stream.indirect_vreg.gather [hbm4b:s2+s3], $0x80, v5, vm0, $0xb8;
	[tilespmem:$0x1E380] =	vst v63  }
0x140: {  	s12 =	simm.s32 $0x6B80;
	v3 =	vadd.s32 v1, v3  }
0x141: {  	[tilespmem:s12], [sflag:$0x2] =	stream.indirect_vreg.gather [hbm4b:s6+s3], $0x80, v5, vm0, $0xb8;
	[tilespmem:$0x1E380] =	vst v63  }
0x142: {  	_ = 	snop  }
0x143: {  	[tilespmem:s11], [sflag:$0x2] =	stream.indirect_vreg.gather [hbm4b:s7+s3], $0x80, v5, vm0, $0xb8;
	[tilespmem:$0x1E380] =	vst v63  }
0x144: {  	_ = 	snop  }
0x145: {  	[tilespmem:s10], [sflag:$0x2] =	stream.indirect_vreg.gather [hbm4b:s2+s3], $0x80, v3, vm0, $0xb8;
	[tilespmem:$0x1E380] =	vst v63  }
0x146: {  	s13 =	simm.s32 $0x8380  }
0x147: {  	[tilespmem:s13], [sflag:$0x2] =	stream.indirect_vreg.gather [hbm4b:s6+s3], $0x80, v3, vm0, $0xb8;
	[tilespmem:$0x1E380] =	vst v63  }
0x148: {  	s14 =	simm.s32 $0x8B80  }
0x149: {  	[tilespmem:s14], [sflag:$0x2] =	stream.indirect_vreg.gather [hbm4b:s7+s3], $0x80, v3, vm0, $0xb8;
	[tilespmem:$0x1E380] =	vst v63  }
0x14a: {  	v3 =	vld [tilespmem:$0x190];
	_ =	sdelay $0x4  }
0x14b: {  	v59 =	vshrl.u32 v3, $0x3  }
0x14c: {  	v4 =	vmul.u32 $0x30, v59  }
0x14d: {  	v3 =	vand.u32 $0x7, v3  }
0x14e: {  	v3 =	vor.u32 v3, v4  }
0x14f: {  	v4 =	vperm.xlane v3, v0;
	_ =	sdelay $0x1  }
0x150: {  	v4 =	vadd.s32 v1, v4;
	_ =	sdelay $0x3  }
0x151: {  	s12 =	simm.s32 $0x9380;
	v3 =	vperm.xlane v3, v2  }
0x152: {  	[tilespmem:s12], [sflag:$0x2] =	stream.indirect_vreg.gather [hbm4b:s2+s3], $0x80, v4, vm0, $0xb8;
	[tilespmem:$0x1E380] =	vst v63  }
0x153: {  	s13 =	simm.s32 $0x9B80;
	v3 =	vadd.s32 v1, v3  }
0x154: {  	[tilespmem:s13], [sflag:$0x2] =	stream.indirect_vreg.gather [hbm4b:s6+s3], $0x80, v4, vm0, $0xb8;
	[tilespmem:$0x1E380] =	vst v63  }
0x155: {  	s14 =	simm.s32 $0xA380  }
0x156: {  	[tilespmem:s14], [sflag:$0x2] =	stream.indirect_vreg.gather [hbm4b:s7+s3], $0x80, v4, vm0, $0xb8;
	[tilespmem:$0x1E380] =	vst v63  }
0x157: {  	s12 =	simm.s32 $0xAB80  }
0x158: {  	[tilespmem:s12], [sflag:$0x2] =	stream.indirect_vreg.gather [hbm4b:s2+s3], $0x80, v3, vm0, $0xb8;
	[tilespmem:$0x1E380] =	vst v63  }
0x159: {  	s13 =	simm.s32 $0xB380  }
0x15a: {  	[tilespmem:s13], [sflag:$0x2] =	stream.indirect_vreg.gather [hbm4b:s6+s3], $0x80, v3, vm0, $0xb8;
	[tilespmem:$0x1E380] =	vst v63  }
0x15b: {  	s14 =	simm.s32 $0xBB80  }
0x15c: {  	[tilespmem:s14], [sflag:$0x2] =	stream.indirect_vreg.gather [hbm4b:s7+s3], $0x80, v3, vm0, $0xb8;
	[tilespmem:$0x1E380] =	vst v63  }
0x15d: {  	_ =	swait.ge [sflag:s30], $0x6000  }
0x15e: {  	[sflag:s30] =	ssyncset.done $0x0  }
0x15f: {  	s4 =	rddreg [dreg:$0x6];
	[sflag:s30] =	ssyncadd.s32 $0xFFFFA000  }
0x160: {  	[hbm4b:s4+s3] =	stream.linear.scatter [tilespmem:s1], [sflag:$0x8], $0x6000, $0x38;
	[tilespmem:$0x1E380] =	vst v63  }
0x161: {  	_ =	swait.ge [sflag:s31], $0x6000  }
0x162: {  	[sflag:s31] =	ssyncset.done $0x0  }
0x163: {  	[sflag:s31] =	ssyncadd.s32 $0xFFFFA000  }
0x164: {  	v3 =	vld [tilespmem:$0xE0];
	_ =	sdelay $0x4  }
0x165: {  	v60 =	vshrl.u32 v3, $0x3  }
0x166: {  	v4 =	vmul.u32 $0x30, v60  }
0x167: {  	v61 =	vand.u32 $0x7, v3  }
0x168: {  	v4 =	vor.u32 v61, v4  }
0x169: {  	v5 =	vperm.xlane v4, v0  }
0x16a: {  	v62 =	vld [tilespmem:$0xF0]  }
0x16b: {  	v5 =	vadd.s32 v1, v5;
	_ =	sdelay $0x2  }
0x16c: {  	[tilespmem:$0x200] =	vst v3  }
0x16d: {  	[tilespmem:$0x210] =	vst v62;
	v3 =	vperm.xlane v4, v2  }
0x16e: {  	[tilespmem:s1], [sflag:$0x3] =	stream.indirect_vreg.gather [hbm4b:s2+s3], $0x80, v5, vm0, $0xb8;
	[tilespmem:$0x1E380] =	vst v63  }
0x16f: {  	s13 =	simm.s32 $0xCB80;
	v3 =	vadd.s32 v1, v3  }
0x170: {  	[tilespmem:s13], [sflag:$0x3] =	stream.indirect_vreg.gather [hbm4b:s6+s3], $0x80, v5, vm0, $0xb8;
	[tilespmem:$0x1E380] =	vst v63  }
0x171: {  	s14 =	simm.s32 $0xD380  }
0x172: {  	[tilespmem:s14], [sflag:$0x3] =	stream.indirect_vreg.gather [hbm4b:s7+s3], $0x80, v5, vm0, $0xb8;
	[tilespmem:$0x1E380] =	vst v63  }
0x173: {  	s12 =	simm.s32 $0xDB80  }
0x174: {  	[tilespmem:s12], [sflag:$0x3] =	stream.indirect_vreg.gather [hbm4b:s2+s3], $0x80, v3, vm0, $0xb8;
	[tilespmem:$0x1E380] =	vst v63  }
0x175: {  	s13 =	simm.s32 $0xE380  }
0x176: {  	[tilespmem:s13], [sflag:$0x3] =	stream.indirect_vreg.gather [hbm4b:s6+s3], $0x80, v3, vm0, $0xb8;
	[tilespmem:$0x1E380] =	vst v63  }
0x177: {  	s14 =	simm.s32 $0xEB80  }
0x178: {  	[tilespmem:s14], [sflag:$0x3] =	stream.indirect_vreg.gather [hbm4b:s7+s3], $0x80, v3, vm0, $0xb8;
	[tilespmem:$0x1E380] =	vst v63  }
0x179: {  	v3 =	vld [tilespmem:$0x210];
	_ =	sdelay $0x4  }
0x17a: {  	v63 =	vshrl.u32 v3, $0x3  }
0x17b: {  	v4 =	vmul.u32 $0x30, v63  }
0x17c: {  	v3 =	vand.u32 $0x7, v3  }
0x17d: {  	v3 =	vor.u32 v3, v4  }
0x17e: {  	v4 =	vperm.xlane v3, v0;
	_ =	sdelay $0x1  }
0x17f: {  	v4 =	vadd.s32 v1, v4;
	_ =	sdelay $0x3  }
0x180: {  	s12 =	simm.s32 $0xF380;
	v3 =	vperm.xlane v3, v2  }
0x181: {  	[tilespmem:s12], [sflag:$0x3] =	stream.indirect_vreg.gather [hbm4b:s2+s3], $0x80, v4, vm0, $0xb8;
	[tilespmem:$0x1E380] =	vst v63  }
0x182: {  	s13 =	simm.s32 $0xFB80;
	v3 =	vadd.s32 v1, v3  }
0x183: {  	[tilespmem:s13], [sflag:$0x3] =	stream.indirect_vreg.gather [hbm4b:s6+s3], $0x80, v4, vm0, $0xb8;
	[tilespmem:$0x1E380] =	vst v63  }
0x184: {  	s14 =	simm.s32 $0x10380  }
0x185: {  	[tilespmem:s14], [sflag:$0x3] =	stream.indirect_vreg.gather [hbm4b:s7+s3], $0x80, v4, vm0, $0xb8;
	[tilespmem:$0x1E380] =	vst v63  }
0x186: {  	s12 =	simm.s32 $0x10B80  }
0x187: {  	[tilespmem:s12], [sflag:$0x3] =	stream.indirect_vreg.gather [hbm4b:s2+s3], $0x80, v3, vm0, $0xb8;
	[tilespmem:$0x1E380] =	vst v63  }
0x188: {  	s13 =	simm.s32 $0x11380  }
0x189: {  	[tilespmem:s13], [sflag:$0x3] =	stream.indirect_vreg.gather [hbm4b:s6+s3], $0x80, v3, vm0, $0xb8;
	[tilespmem:$0x1E380] =	vst v63  }
0x18a: {  	s14 =	simm.s32 $0x11B80;
	s12 =	simm.s32 $0x4  }
0x18b: {  	[tilespmem:s14], [sflag:$0x3] =	stream.indirect_vreg.gather [hbm4b:s7+s3], $0x80, v3, vm0, $0xb8;
	[tilespmem:$0x1E380] =	vst v63  }
0x18c: {  	_ =	swait.ge [sflag:s12], $0x6000  }
0x18d: {  	s14 =	simm.s32 $0x12380;
	[sflag:s12] =	ssyncset.done $0x0  }
0x18e: {  	s13 =	rddreg [dreg:$0x7];
	[sflag:s12] =	ssyncadd.s32 $0xFFFFA000;
	s12 =	simm.s32 $0x5  }
0x18f: {  	[hbm4b:s13+s3] =	stream.linear.scatter [tilespmem:s14], [sflag:$0x9], $0x6000, $0x38;
	[tilespmem:$0x1E380] =	vst v63  }
0x190: {  	_ =	swait.ge [sflag:s12], $0x6000  }
0x191: {  	[sflag:s12] =	ssyncset.done $0x0  }
0x192: {  	s13 =	rddreg [dreg:$0x8];
	[sflag:s12] =	ssyncadd.s32 $0xFFFFA000  }
0x193: {  	[hbm4b:s13+s3] =	stream.linear.scatter [tilespmem:s0], [sflag:$0xA], $0x6000, $0x38;
	[tilespmem:$0x1E380] =	vst v63  }
0x194: {  	_ =	swait.ge [sflag:s25], $0x6000  }
0x195: {  	[sflag:s25] =	ssyncset.done $0x0  }
0x196: {  	s14 =	rddreg [dreg:$0x9];
	[sflag:s25] =	ssyncadd.s32 $0xFFFFA000  }
0x197: {  	[hbm4b:s14+s3] =	stream.linear.scatter [tilespmem:s22], [sflag:$0x6], $0x6000, $0x38;
	[tilespmem:$0x1E380] =	vst v63  }
0x198: {  	_ =	swait.ge [sflag:s28], $0x6000  }
0x199: {  	[sflag:s28] =	ssyncset.done $0x0  }
0x19a: {  	s0 =	rddreg [dreg:$0xa];
	[sflag:s28] =	ssyncadd.s32 $0xFFFFA000  }
0x19b: {  	[hbm4b:s0+s3] =	stream.linear.scatter [tilespmem:s5], [sflag:$0x7], $0x6000, $0x38;
	[tilespmem:$0x1E380] =	vst v63  }
0x19c: {  	_ =	swait.ge [sflag:s30], $0x6000  }
0x19d: {  	[sflag:s30] =	ssyncset.done $0x0  }
0x19e: {  	s13 =	simm.s32 $0x9;
	s4 =	rddreg [dreg:$0xb];
	[sflag:s30] =	ssyncadd.s32 $0xFFFFA000  }
0x19f: {  	[hbm4b:s4+s3] =	stream.linear.scatter [tilespmem:s1], [sflag:$0x8], $0x6000, $0x38;
	[tilespmem:$0x1E380] =	vst v63  }
0x1a0: {  	_ =	swait.ge [sflag:s13], $0x6000  }
0x1a1: {  	[sflag:s13] =	ssyncset.done $0x0  }
0x1a2: {  	s14 =	simm.s32 $0xA;
	[sflag:s13] =	ssyncadd.s32 $0xFFFFA000  }
0x1a3: {  	_ =	swait.ge [sflag:s14], $0x6000  }
0x1a4: {  	[sflag:s14] =	ssyncset.done $0x0  }
0x1a5: {  	[sflag:s14] =	ssyncadd.s32 $0xFFFFA000  }
0x1a6: {  	_ =	swait.ge [sflag:s26], $0x6000  }
0x1a7: {  	[sflag:s26] =	ssyncset.done $0x0  }
0x1a8: {  	[sflag:s26] =	ssyncadd.s32 $0xFFFFA000  }
0x1a9: {  	p0 =	sne.s32 s8, $0x1;
	_ =	swait.ge [sflag:s29], $0x6000  }
.Ltmp0:
0x1aa: {  	[sflag:s29] =	ssyncset.done $0x0;
	(pc) =	sbr.rel @p0 .LBB2_1-.Ltmp0, $4  }
0x1ab: {  	[sflag:s29] =	ssyncadd.s32 $0xFFFFA000  }
0x1ac: {  	_ =	swait.ge [sflag:s31], $0x6000  }
0x1ad: {  	[sflag:s31] =	ssyncset.done $0x0  }
0x1ae: {  	s8 =	sadd.s32 $0xFFFFFFFF, s8;
	[sflag:s31] =	ssyncadd.s32 $0xFFFFA000  }
0x1af: {  	_ =	sfence.sel $0x180000  }
0x1b0: {  	[bflag:$0x0] =	sbarrier.arrive $0xFFFF  }
0x1b1: {  	_ =	strace $0x90000047  }
0x1b2: {  	s0 =	stileid.u32;
	[bflag:$0x2] =	sbarrier.arrive $0xFFFF  }
0x1b3: {  	p0 =	sne.s32 s0, $0x0;
	s0 =	rddreg [dreg:$0x3]  }
0x1b4: {  	s0 =	sadd.s32 @!p0 $0x100000, s0  }
0x1b5: {  	[sflag:s0] =	ssyncadd.tile.s32 @!p0 $0x1;
	_ =	shalt  }
.Lfunc_end2:
_tile_overlayer_lowered:
.L_overlay_start_2:
0x1b6: {  	(tag) =	ssettag $0x2  }
0x1b7: {  	s0 =	rddreg [dreg:$0x0];
	s2 =	stileid.u32  }
0x1b8: {  	s1 =	rddreg [dreg:$0x1];
	p0 =	sne.s32 s2, $0x0  }
0x1b9: {  	s3 =	rddreg [dreg:$0x2];
	[bflag:$0x3] =	sbarrier.arrive $0xFFFF;
	s2 =	simm.s32 @!p0 $0x1C0B  }
0x1ba: {  	[timem:s3], [sflag:s2] =	dma.local @!p0 [hbm:s0], s1  }
0x1bb: {  	s0 =	simm.s32 @!p0 $0xB  }
0x1bc: {  	_ =	swait.ge @!p0 [sflag:s0], s1  }
0x1bd: {  	s1 =	ssub.s32 @!p0 $0x0, s1;
	[sflag:s0] =	ssyncset.done @!p0 $0x0  }
0x1be: {  	[sflag:s0] =	ssyncadd.s32 @!p0 s1  }
0x1bf: {  	[bflag:$0x3] =	sbarrier.arrive $0xFFFF  }
0x1c0: {  	_ =	shalt  }

</sc_bundles>
